<compile_context>
chip_gen: v7x
topology: tpu7x:2x2x1
jax: 0.10.2.dev20260603
libtpu: 0.0.44.dev20260713+nightly
codegen_flags: <defaults>
</compile_context>

<pallas_src>
import functools

import jax
import jax.numpy as jnp
from jax import lax
from jax.experimental import pallas as pl
from jax.experimental.pallas import tpu as pltpu
from jax.experimental.pallas import tpu_sc as plsc

DIM = 64
LANES = 16
NUM_CORES = 2
NUM_SUBCORES = 16
NUM_WORKERS = NUM_CORES * NUM_SUBCORES

CHUNK = 128
NBUF = 4


def _sc_embed_add(n_rows, pos_vocab):
    assert n_rows % (NUM_WORKERS * CHUNK) == 0
    rows_per_w = n_rows // NUM_WORKERS
    chunks = rows_per_w // CHUNK
    assert chunks >= 6 and (chunks - 4) % NBUF == 0

    mesh = plsc.VectorSubcoreMesh(
        core_axis_name="c", subcore_axis_name="s",
        num_cores=NUM_CORES, num_subcores=NUM_SUBCORES)

    @functools.partial(
        pl.kernel,
        out_type=jax.ShapeDtypeStruct((n_rows, DIM), jnp.float32),
        mesh=mesh,
        compiler_params=pltpu.CompilerParams(use_tc_tiling_on_sc=False,
                                             needs_layout_passes=False),
        scratch_types=(
            [pltpu.VMEM((rows_per_w,), jnp.int32),
             pltpu.VMEM((rows_per_w,), jnp.int32),
             pltpu.VMEM((pos_vocab * DIM,), jnp.float32)]
            + [pltpu.VMEM((CHUNK, DIM), jnp.float32) for _ in range(NBUF)]
            + [pltpu.SemaphoreType.DMA for _ in range(2 * NBUF)]
        ),
    )
    def k(x_hbm, pos_hbm, tok_hbm, posemb_hbm, out_hbm,
          idx_t, idx_p, pos_tab, b0, b1, b2, b3,
          g0, g1, g2, g3, s0, s1, s2, s3):
        wid = lax.axis_index("s") * NUM_CORES + lax.axis_index("c")
        base = wid * rows_per_w
        pltpu.sync_copy(x_hbm.at[pl.ds(base, rows_per_w)], idx_t)
        pltpu.sync_copy(pos_hbm.at[pl.ds(base, rows_per_w)], idx_p)
        pltpu.sync_copy(posemb_hbm, pos_tab)

        bufs = (b0, b1, b2, b3)
        gsems = (g0, g1, g2, g3)
        ssems = (s0, s1, s2, s3)
        iota = lax.iota(jnp.int32, LANES)

        def g_desc(c, b):
            src = tok_hbm.at[idx_t.at[pl.ds(c * CHUNK, CHUNK)]]
            return pltpu.make_async_copy(src, bufs[b], gsems[b])

        def s_desc(c, b):
            dst = out_hbm.at[pl.ds(base + c * CHUNK, CHUNK)]
            return pltpu.make_async_copy(bufs[b], dst, ssems[b])

        zeros = jnp.zeros((LANES,), jnp.int32)

        def add_chunk(c, b):
            buf = bufs[b]

            @plsc.parallel_loop(0, CHUNK, step=1, unroll=2)
            def _row(r):
                pidx = plsc.load_gather(idx_p, [zeros + (c * CHUNK + r)])
                rbase = pidx * DIM
                for q in range(DIM // LANES):
                    addr = rbase + (iota + q * LANES)
                    pv = plsc.load_gather(pos_tab, [addr])
                    sl = pl.ds(q * LANES, LANES)
                    buf[r, sl] = buf[r, sl] + pv

        def step(j, b, first, last):
            tgt = (b + 2) % NBUF
            if not first:
                s_desc(j - 2, tgt).wait()
            if not last:
                g_desc(j + 2, tgt).start()
            g_desc(j, b).wait()
            add_chunk(j, b)
            s_desc(j, b).start()

        g_desc(0, 0).start()
        g_desc(1, 1).start()
        step(0, 0, first=True, last=False)
        step(1, 1, first=True, last=False)

        def body4(t, carry):
            for kk in range(NBUF):
                j = NBUF * t + (2 + kk)
                step(j, (2 + kk) % NBUF, first=False, last=False)
            return carry
        lax.fori_loop(0, (chunks - 4) // NBUF, body4, 0)

        for j in range(chunks - 2, chunks):
            step(j, j % NBUF, first=False, last=True)
        s_desc(chunks - 2, (chunks - 2) % NBUF).wait()
        s_desc(chunks - 1, (chunks - 1) % NBUF).wait()

    return k


def kernel(x, pos, token_embed, pos_embed):
    b, l = x.shape
    n = b * l
    pos_vocab = pos_embed.shape[0]
    out = _sc_embed_add(n, pos_vocab)(
        x.reshape(n), pos.reshape(n), token_embed,
        pos_embed.reshape(pos_vocab * DIM))
    return out.reshape(b, l, DIM)

# --- scband reference (transcript-rebuilt; emitter-appended) ---
"""Pipeline reference for scband-embedding-layer-84808424226914 (READ-ONLY COPY).

The authoritative reference and input builder live on the scoring server;
editing this copy changes nothing except your own understanding.
"""

import jax, jax.numpy as jnp
import numpy as np

VOCAB = 1000000
DIM = 64
MAXLEN = 200
B = 4096
L = 200

def setup_inputs(seed: int = 0) -> dict:
    key = jax.random.key(seed)
    k1, k2, k3, k4 = jax.random.split(key, 4)
    x = jax.random.randint(k1, (B, L), 0, VOCAB, dtype=jnp.int64 if jax.config.jax_enable_x64 else jnp.int32).astype(jnp.int32)
    pos = jax.random.randint(k2, (B, L), 0, MAXLEN, dtype=jnp.int32)
    # xavier_uniform-like init for embedding tables
    bound_tok = float(np.sqrt(6.0 / (VOCAB + DIM)))
    token_embed = jax.random.uniform(k3, (VOCAB, DIM), minval=-bound_tok, maxval=bound_tok, dtype=jnp.float32)
    bound_pos = float(np.sqrt(6.0 / (MAXLEN + DIM)))
    pos_embed = jax.random.uniform(k4, (MAXLEN, DIM), minval=-bound_pos, maxval=bound_pos, dtype=jnp.float32)
    return {"x": x, "pos": pos, "token_embed": token_embed, "pos_embed": pos_embed}

def reference(x, pos, token_embed, pos_embed):
    # Faithful translation of EmbeddingLayer.forward for the len(x.size())==2 branch:
    # y = token_embed(x) + pos_embed(pos)
    if x.ndim == 2:
        y = jnp.take(token_embed, x, axis=0) + jnp.take(pos_embed, pos, axis=0)
    else:
        y = jnp.matmul(x, token_embed) + jnp.take(pos_embed, pos, axis=0)
    return y

if __name__ == "__main__":
    import jax
    _d = setup_inputs()
    print(jax.jit(kernel)(*tuple(_d.values())))

</pallas_src>

<mosaic_0001>
#map = affine_map<(d0, d1) -> (0)>
#map1 = affine_map<(d0, d1) -> (0, 0)>
module attributes {stable_mosaic.version = 14 : i64} {
  func.func @k(%arg0: i32, %arg1: i32, %arg2: memref<819200xi32, #tpu.memory_space<hbm>>, %arg3: memref<819200xi32, #tpu.memory_space<hbm>>, %arg4: memref<1000000x64xf32, #tpu.memory_space<hbm>>, %arg5: memref<12800xf32, #tpu.memory_space<hbm>>, %arg6: memref<819200x64xf32, #tpu.memory_space<hbm>>, %arg7: memref<25600xi32, #tpu.memory_space<vmem>>, %arg8: memref<25600xi32, #tpu.memory_space<vmem>>, %arg9: memref<12800xf32, #tpu.memory_space<vmem>>, %arg10: memref<128x64xf32, #tpu.memory_space<vmem>>, %arg11: memref<128x64xf32, #tpu.memory_space<vmem>>, %arg12: memref<128x64xf32, #tpu.memory_space<vmem>>, %arg13: memref<128x64xf32, #tpu.memory_space<vmem>>, %arg14: memref<!tpu.dma_semaphore, #tpu.memory_space<semaphore_mem>>, %arg15: memref<!tpu.dma_semaphore, #tpu.memory_space<semaphore_mem>>, %arg16: memref<!tpu.dma_semaphore, #tpu.memory_space<semaphore_mem>>, %arg17: memref<!tpu.dma_semaphore, #tpu.memory_space<semaphore_mem>>, %arg18: memref<!tpu.dma_semaphore, #tpu.memory_space<semaphore_mem>>, %arg19: memref<!tpu.dma_semaphore, #tpu.memory_space<semaphore_mem>>, %arg20: memref<!tpu.dma_semaphore, #tpu.memory_space<semaphore_mem>>, %arg21: memref<!tpu.dma_semaphore, #tpu.memory_space<semaphore_mem>>) attributes {dimension_semantics = [#tpu.dimension_semantics<core_parallel>, #tpu.dimension_semantics<subcore_parallel>], iteration_bounds = array<i64: 2, 16>, scalar_prefetch = 0 : i64, scratch_operands = 15 : i64, tpu.core_type = #tpu.core_type<sc_vector_subcore>, window_params = [{transform_indices = #map}, {transform_indices = #map}, {transform_indices = #map1}, {transform_indices = #map}, {transform_indices = #map1}]} {
    %mul3A = arith.constant 2 : i32
    %mul3A_0 = arith.muli %arg1, %mul3A : i32
    %add3A = arith.addi %mul3A_0, %arg0 : i32
    %mul3A_1 = arith.constant 25600 : i32
    %mul3A_2 = arith.muli %add3A, %mul3A_1 : i32
    "tpu.region"() ({
      %run_scoped3A = tpu.sem_alloc : memref<!tpu.dma_semaphore, #tpu.memory_space<semaphore_mem>>
      %dma_start3A_106 = tpu.memref_slice %arg2[%mul3A_2] : memref<819200xi32, #tpu.memory_space<hbm>> -> memref<25600xi32, #tpu.memory_space<hbm>>
      %dma_start3A_107 = tpu.memref_slice %arg2[%mul3A_2] : memref<819200xi32, #tpu.memory_space<hbm>> -> memref<25600xi32, #tpu.memory_space<hbm>>
      tpu.enqueue_dma source(%dma_start3A_107 : memref<25600xi32, #tpu.memory_space<hbm>>) target(%arg7 : memref<25600xi32, #tpu.memory_space<vmem>>) target_semaphore(%run_scoped3A : memref<!tpu.dma_semaphore, #tpu.memory_space<semaphore_mem>>)
      %dma_wait3A_108 = tpu.memref_slice %arg2[%mul3A_2] : memref<819200xi32, #tpu.memory_space<hbm>> -> memref<25600xi32, #tpu.memory_space<hbm>>
      %dma_wait3A_109 = tpu.memref_slice %arg2[%mul3A_2] : memref<819200xi32, #tpu.memory_space<hbm>> -> memref<25600xi32, #tpu.memory_space<hbm>>
      tpu.wait_dma2 semaphore(%run_scoped3A : memref<!tpu.dma_semaphore, #tpu.memory_space<semaphore_mem>>) src(%dma_wait3A_109 : memref<25600xi32, #tpu.memory_space<hbm>>) dst(%arg7 : memref<25600xi32, #tpu.memory_space<vmem>>)
      tpu.yield
    }) : () -> ()
    "tpu.region"() ({
      %run_scoped3A = tpu.sem_alloc : memref<!tpu.dma_semaphore, #tpu.memory_space<semaphore_mem>>
      %dma_start3A_106 = tpu.memref_slice %arg3[%mul3A_2] : memref<819200xi32, #tpu.memory_space<hbm>> -> memref<25600xi32, #tpu.memory_space<hbm>>
      %dma_start3A_107 = tpu.memref_slice %arg3[%mul3A_2] : memref<819200xi32, #tpu.memory_space<hbm>> -> memref<25600xi32, #tpu.memory_space<hbm>>
      tpu.enqueue_dma source(%dma_start3A_107 : memref<25600xi32, #tpu.memory_space<hbm>>) target(%arg8 : memref<25600xi32, #tpu.memory_space<vmem>>) target_semaphore(%run_scoped3A : memref<!tpu.dma_semaphore, #tpu.memory_space<semaphore_mem>>)
      %dma_wait3A_108 = tpu.memref_slice %arg3[%mul3A_2] : memref<819200xi32, #tpu.memory_space<hbm>> -> memref<25600xi32, #tpu.memory_space<hbm>>
      %dma_wait3A_109 = tpu.memref_slice %arg3[%mul3A_2] : memref<819200xi32, #tpu.memory_space<hbm>> -> memref<25600xi32, #tpu.memory_space<hbm>>
      tpu.wait_dma2 semaphore(%run_scoped3A : memref<!tpu.dma_semaphore, #tpu.memory_space<semaphore_mem>>) src(%dma_wait3A_109 : memref<25600xi32, #tpu.memory_space<hbm>>) dst(%arg8 : memref<25600xi32, #tpu.memory_space<vmem>>)
      tpu.yield
    }) : () -> ()
    "tpu.region"() ({
      %run_scoped3A = tpu.sem_alloc : memref<!tpu.dma_semaphore, #tpu.memory_space<semaphore_mem>>
      tpu.enqueue_dma source(%arg5 : memref<12800xf32, #tpu.memory_space<hbm>>) target(%arg9 : memref<12800xf32, #tpu.memory_space<vmem>>) target_semaphore(%run_scoped3A : memref<!tpu.dma_semaphore, #tpu.memory_space<semaphore_mem>>)
      tpu.wait_dma2 semaphore(%run_scoped3A : memref<!tpu.dma_semaphore, #tpu.memory_space<semaphore_mem>>) src(%arg5 : memref<12800xf32, #tpu.memory_space<hbm>>) dst(%arg9 : memref<12800xf32, #tpu.memory_space<vmem>>)
      tpu.yield
    }) : () -> ()
    %iota3A = tpu.iota {dimensions = array<i32: 0>} : vector<16xi32>
    %broadcast_in_dim3A = arith.constant 0 : i32
    %broadcast_in_dim3A_3 = vector.broadcast %broadcast_in_dim3A : i32 to vector<16xi32>
    %dma_start3A = arith.constant 0 : i32
    %dma_start3A_4 = tpu.memref_slice %arg7[%dma_start3A] : memref<25600xi32, #tpu.memory_space<vmem>> -> memref<128xi32, #tpu.memory_space<vmem>>
    %dma_start3A_5 = arith.constant 0 : i32
    %dma_start3A_6 = arith.constant 0 : i32
    %dma_start3A_7 = tpu.memref_slice %arg4[%dma_start3A_5, %dma_start3A_6] : memref<1000000x64xf32, #tpu.memory_space<hbm>> -> memref<1000000x64xf32, #tpu.memory_space<hbm>>
    tpu.enqueue_indirect_dma source(%dma_start3A_7 : memref<1000000x64xf32, #tpu.memory_space<hbm>>) target(%arg10 : memref<128x64xf32, #tpu.memory_space<vmem>>) offsets(%dma_start3A_4 : memref<128xi32, #tpu.memory_space<vmem>>) semaphore(%arg14 : memref<!tpu.dma_semaphore, #tpu.memory_space<semaphore_mem>>)
    %dma_start3A_8 = arith.constant 128 : i32
    %dma_start3A_9 = tpu.memref_slice %arg7[%dma_start3A_8] : memref<25600xi32, #tpu.memory_space<vmem>> -> memref<128xi32, #tpu.memory_space<vmem>>
    %dma_start3A_10 = arith.constant 0 : i32
    %dma_start3A_11 = arith.constant 0 : i32
    %dma_start3A_12 = tpu.memref_slice %arg4[%dma_start3A_10, %dma_start3A_11] : memref<1000000x64xf32, #tpu.memory_space<hbm>> -> memref<1000000x64xf32, #tpu.memory_space<hbm>>
    tpu.enqueue_indirect_dma source(%dma_start3A_12 : memref<1000000x64xf32, #tpu.memory_space<hbm>>) target(%arg11 : memref<128x64xf32, #tpu.memory_space<vmem>>) offsets(%dma_start3A_9 : memref<128xi32, #tpu.memory_space<vmem>>) semaphore(%arg15 : memref<!tpu.dma_semaphore, #tpu.memory_space<semaphore_mem>>)
    %dma_start3A_13 = arith.constant 256 : i32
    %dma_start3A_14 = tpu.memref_slice %arg7[%dma_start3A_13] : memref<25600xi32, #tpu.memory_space<vmem>> -> memref<128xi32, #tpu.memory_space<vmem>>
    %dma_start3A_15 = arith.constant 0 : i32
    %dma_start3A_16 = arith.constant 0 : i32
    %dma_start3A_17 = tpu.memref_slice %arg4[%dma_start3A_15, %dma_start3A_16] : memref<1000000x64xf32, #tpu.memory_space<hbm>> -> memref<1000000x64xf32, #tpu.memory_space<hbm>>
    tpu.enqueue_indirect_dma source(%dma_start3A_17 : memref<1000000x64xf32, #tpu.memory_space<hbm>>) target(%arg12 : memref<128x64xf32, #tpu.memory_space<vmem>>) offsets(%dma_start3A_14 : memref<128xi32, #tpu.memory_space<vmem>>) semaphore(%arg16 : memref<!tpu.dma_semaphore, #tpu.memory_space<semaphore_mem>>)
    %dma_wait3A = arith.constant 0 : i32
    %dma_wait3A_18 = tpu.memref_slice %arg7[%dma_wait3A] : memref<25600xi32, #tpu.memory_space<vmem>> -> memref<128xi32, #tpu.memory_space<vmem>>
    %dma_wait3A_19 = arith.constant 0 : i32
    %dma_wait3A_20 = arith.constant 0 : i32
    %dma_wait3A_21 = tpu.memref_slice %arg4[%dma_wait3A_19, %dma_wait3A_20] : memref<1000000x64xf32, #tpu.memory_space<hbm>> -> memref<1000000x64xf32, #tpu.memory_space<hbm>>
    tpu.wait_indirect_dma semaphore(%arg14 : memref<!tpu.dma_semaphore, #tpu.memory_space<semaphore_mem>>) src(%dma_wait3A_21 : memref<1000000x64xf32, #tpu.memory_space<hbm>>) dst(%arg10 : memref<128x64xf32, #tpu.memory_space<vmem>>)
    %parallel_loop3A = arith.constant 0 : i32
    %parallel_loop3A_22 = arith.constant 128 : i32
    %parallel_loop3A_23 = arith.constant 1 : i32
    scf.for %parallel_loop3A_106 = %parallel_loop3A to %parallel_loop3A_22 step %parallel_loop3A_23  : i32 {
      %parallel_loop3A_107 = arith.constant 0 : i32
      %parallel_loop3A_108 = arith.addi %parallel_loop3A_107, %parallel_loop3A_106 : i32
      %parallel_loop3A_109 = vector.broadcast %parallel_loop3A_108 : i32 to vector<16xi32>
      %parallel_loop3A_110 = arith.addi %broadcast_in_dim3A_3, %parallel_loop3A_109 : vector<16xi32>
      %parallel_loop3A_111 = tpu.vector_load_idx %arg8[%parallel_loop3A_110] : memref<25600xi32, #tpu.memory_space<vmem>>[vector<16xi32>], vector<16xi32>,
      %parallel_loop3A_112 = arith.constant 64 : i32
      %parallel_loop3A_113 = vector.broadcast %parallel_loop3A_112 : i32 to vector<16xi32>
      %parallel_loop3A_114 = arith.muli %parallel_loop3A_111, %parallel_loop3A_113 : vector<16xi32>
      %parallel_loop3A_115 = arith.constant 0 : i32
      %parallel_loop3A_116 = vector.broadcast %parallel_loop3A_115 : i32 to vector<16xi32>
      %parallel_loop3A_117 = arith.addi %iota3A, %parallel_loop3A_116 : vector<16xi32>
      %parallel_loop3A_118 = arith.addi %parallel_loop3A_114, %parallel_loop3A_117 : vector<16xi32>
      %parallel_loop3A_119 = tpu.vector_load_idx %arg9[%parallel_loop3A_118] : memref<12800xf32, #tpu.memory_space<vmem>>[vector<16xi32>], vector<16xf32>,
      %parallel_loop3A_120 = arith.index_cast %parallel_loop3A_106 : i32 to index
      %parallel_loop3A_121 = arith.constant 0 : index
      %parallel_loop3A_122 = tpu.vector_load %arg10[%parallel_loop3A_120, %parallel_loop3A_121] {strides = array<i32>} : memref<128x64xf32, #tpu.memory_space<vmem>>, vector<16xf32>,
      %parallel_loop3A_123 = arith.addf %parallel_loop3A_122, %parallel_loop3A_119 : vector<16xf32>
      %parallel_loop3A_124 = arith.index_cast %parallel_loop3A_106 : i32 to index
      %parallel_loop3A_125 = arith.constant 0 : index
      %parallel_loop3A_126 = tpu.vector_load %arg10[%parallel_loop3A_124, %parallel_loop3A_125] {strides = array<i32>} : memref<128x64xf32, #tpu.memory_space<vmem>>, vector<16xf32>,
      tpu.vector_store %arg10[%parallel_loop3A_124, %parallel_loop3A_125], %parallel_loop3A_123 {strides = array<i32>} : memref<128x64xf32, #tpu.memory_space<vmem>>, vector<16xf32>,
      %parallel_loop3A_127 = arith.constant 16 : i32
      %parallel_loop3A_128 = vector.broadcast %parallel_loop3A_127 : i32 to vector<16xi32>
      %parallel_loop3A_129 = arith.addi %iota3A, %parallel_loop3A_128 : vector<16xi32>
      %parallel_loop3A_130 = arith.addi %parallel_loop3A_114, %parallel_loop3A_129 : vector<16xi32>
      %parallel_loop3A_131 = tpu.vector_load_idx %arg9[%parallel_loop3A_130] : memref<12800xf32, #tpu.memory_space<vmem>>[vector<16xi32>], vector<16xf32>,
      %parallel_loop3A_132 = arith.index_cast %parallel_loop3A_106 : i32 to index
      %parallel_loop3A_133 = arith.constant 16 : index
      %parallel_loop3A_134 = tpu.vector_load %arg10[%parallel_loop3A_132, %parallel_loop3A_133] {strides = array<i32>} : memref<128x64xf32, #tpu.memory_space<vmem>>, vector<16xf32>,
      %parallel_loop3A_135 = arith.addf %parallel_loop3A_134, %parallel_loop3A_131 : vector<16xf32>
      %parallel_loop3A_136 = arith.index_cast %parallel_loop3A_106 : i32 to index
      %parallel_loop3A_137 = arith.constant 16 : index
      %parallel_loop3A_138 = tpu.vector_load %arg10[%parallel_loop3A_136, %parallel_loop3A_137] {strides = array<i32>} : memref<128x64xf32, #tpu.memory_space<vmem>>, vector<16xf32>,
      tpu.vector_store %arg10[%parallel_loop3A_136, %parallel_loop3A_137], %parallel_loop3A_135 {strides = array<i32>} : memref<128x64xf32, #tpu.memory_space<vmem>>, vector<16xf32>,
      %parallel_loop3A_139 = arith.constant 32 : i32
      %parallel_loop3A_140 = vector.broadcast %parallel_loop3A_139 : i32 to vector<16xi32>
      %parallel_loop3A_141 = arith.addi %iota3A, %parallel_loop3A_140 : vector<16xi32>
      %parallel_loop3A_142 = arith.addi %parallel_loop3A_114, %parallel_loop3A_141 : vector<16xi32>
      %parallel_loop3A_143 = tpu.vector_load_idx %arg9[%parallel_loop3A_142] : memref<12800xf32, #tpu.memory_space<vmem>>[vector<16xi32>], vector<16xf32>,
      %parallel_loop3A_144 = arith.index_cast %parallel_loop3A_106 : i32 to index
      %parallel_loop3A_145 = arith.constant 32 : index
      %parallel_loop3A_146 = tpu.vector_load %arg10[%parallel_loop3A_144, %parallel_loop3A_145] {strides = array<i32>} : memref<128x64xf32, #tpu.memory_space<vmem>>, vector<16xf32>,
      %parallel_loop3A_147 = arith.addf %parallel_loop3A_146, %parallel_loop3A_143 : vector<16xf32>
      %parallel_loop3A_148 = arith.index_cast %parallel_loop3A_106 : i32 to index
      %parallel_loop3A_149 = arith.constant 32 : index
      %parallel_loop3A_150 = tpu.vector_load %arg10[%parallel_loop3A_148, %parallel_loop3A_149] {strides = array<i32>} : memref<128x64xf32, #tpu.memory_space<vmem>>, vector<16xf32>,
      tpu.vector_store %arg10[%parallel_loop3A_148, %parallel_loop3A_149], %parallel_loop3A_147 {strides = array<i32>} : memref<128x64xf32, #tpu.memory_space<vmem>>, vector<16xf32>,
      %parallel_loop3A_151 = arith.constant 48 : i32
      %parallel_loop3A_152 = vector.broadcast %parallel_loop3A_151 : i32 to vector<16xi32>
      %parallel_loop3A_153 = arith.addi %iota3A, %parallel_loop3A_152 : vector<16xi32>
      %parallel_loop3A_154 = arith.addi %parallel_loop3A_114, %parallel_loop3A_153 : vector<16xi32>
      %parallel_loop3A_155 = tpu.vector_load_idx %arg9[%parallel_loop3A_154] : memref<12800xf32, #tpu.memory_space<vmem>>[vector<16xi32>], vector<16xf32>,
      %parallel_loop3A_156 = arith.index_cast %parallel_loop3A_106 : i32 to index
      %parallel_loop3A_157 = arith.constant 48 : index
      %parallel_loop3A_158 = tpu.vector_load %arg10[%parallel_loop3A_156, %parallel_loop3A_157] {strides = array<i32>} : memref<128x64xf32, #tpu.memory_space<vmem>>, vector<16xf32>,
      %parallel_loop3A_159 = arith.addf %parallel_loop3A_158, %parallel_loop3A_155 : vector<16xf32>
      %parallel_loop3A_160 = arith.index_cast %parallel_loop3A_106 : i32 to index
      %parallel_loop3A_161 = arith.constant 48 : index
      %parallel_loop3A_162 = tpu.vector_load %arg10[%parallel_loop3A_160, %parallel_loop3A_161] {strides = array<i32>} : memref<128x64xf32, #tpu.memory_space<vmem>>, vector<16xf32>,
      tpu.vector_store %arg10[%parallel_loop3A_160, %parallel_loop3A_161], %parallel_loop3A_159 {strides = array<i32>} : memref<128x64xf32, #tpu.memory_space<vmem>>, vector<16xf32>,
    } {sc.loop_unroll_factor = 2 : i64, sc.parallel_access}
    %add3A_24 = arith.constant 0 : i32
    %add3A_25 = arith.addi %mul3A_2, %add3A_24 : i32
    %dma_start3A_26 = arith.constant 0 : i32
    %dma_start3A_27 = tpu.memref_slice %arg6[%add3A_25, %dma_start3A_26] : memref<819200x64xf32, #tpu.memory_space<hbm>> -> memref<128x64xf32, #tpu.memory_space<hbm>>
    %dma_start3A_28 = arith.constant 0 : i32
    %dma_start3A_29 = tpu.memref_slice %arg6[%add3A_25, %dma_start3A_28] : memref<819200x64xf32, #tpu.memory_space<hbm>> -> memref<128x64xf32, #tpu.memory_space<hbm>>
    tpu.enqueue_dma source(%arg10 : memref<128x64xf32, #tpu.memory_space<vmem>>) target(%dma_start3A_29 : memref<128x64xf32, #tpu.memory_space<hbm>>) target_semaphore(%arg18 : memref<!tpu.dma_semaphore, #tpu.memory_space<semaphore_mem>>)
    %dma_start3A_30 = arith.constant 384 : i32
    %dma_start3A_31 = tpu.memref_slice %arg7[%dma_start3A_30] : memref<25600xi32, #tpu.memory_space<vmem>> -> memref<128xi32, #tpu.memory_space<vmem>>
    %dma_start3A_32 = arith.constant 0 : i32
    %dma_start3A_33 = arith.constant 0 : i32
    %dma_start3A_34 = tpu.memref_slice %arg4[%dma_start3A_32, %dma_start3A_33] : memref<1000000x64xf32, #tpu.memory_space<hbm>> -> memref<1000000x64xf32, #tpu.memory_space<hbm>>
    tpu.enqueue_indirect_dma source(%dma_start3A_34 : memref<1000000x64xf32, #tpu.memory_space<hbm>>) target(%arg13 : memref<128x64xf32, #tpu.memory_space<vmem>>) offsets(%dma_start3A_31 : memref<128xi32, #tpu.memory_space<vmem>>) semaphore(%arg17 : memref<!tpu.dma_semaphore, #tpu.memory_space<semaphore_mem>>)
    %dma_wait3A_35 = arith.constant 128 : i32
    %dma_wait3A_36 = tpu.memref_slice %arg7[%dma_wait3A_35] : memref<25600xi32, #tpu.memory_space<vmem>> -> memref<128xi32, #tpu.memory_space<vmem>>
    %dma_wait3A_37 = arith.constant 0 : i32
    %dma_wait3A_38 = arith.constant 0 : i32
    %dma_wait3A_39 = tpu.memref_slice %arg4[%dma_wait3A_37, %dma_wait3A_38] : memref<1000000x64xf32, #tpu.memory_space<hbm>> -> memref<1000000x64xf32, #tpu.memory_space<hbm>>
    tpu.wait_indirect_dma semaphore(%arg15 : memref<!tpu.dma_semaphore, #tpu.memory_space<semaphore_mem>>) src(%dma_wait3A_39 : memref<1000000x64xf32, #tpu.memory_space<hbm>>) dst(%arg11 : memref<128x64xf32, #tpu.memory_space<vmem>>)
    %parallel_loop3A_40 = arith.constant 0 : i32
    %parallel_loop3A_41 = arith.constant 128 : i32
    %parallel_loop3A_42 = arith.constant 1 : i32
    scf.for %parallel_loop3A_106 = %parallel_loop3A_40 to %parallel_loop3A_41 step %parallel_loop3A_42  : i32 {
      %parallel_loop3A_107 = arith.constant 128 : i32
      %parallel_loop3A_108 = arith.addi %parallel_loop3A_107, %parallel_loop3A_106 : i32
      %parallel_loop3A_109 = vector.broadcast %parallel_loop3A_108 : i32 to vector<16xi32>
      %parallel_loop3A_110 = arith.addi %broadcast_in_dim3A_3, %parallel_loop3A_109 : vector<16xi32>
      %parallel_loop3A_111 = tpu.vector_load_idx %arg8[%parallel_loop3A_110] : memref<25600xi32, #tpu.memory_space<vmem>>[vector<16xi32>], vector<16xi32>,
      %parallel_loop3A_112 = arith.constant 64 : i32
      %parallel_loop3A_113 = vector.broadcast %parallel_loop3A_112 : i32 to vector<16xi32>
      %parallel_loop3A_114 = arith.muli %parallel_loop3A_111, %parallel_loop3A_113 : vector<16xi32>
      %parallel_loop3A_115 = arith.constant 0 : i32
      %parallel_loop3A_116 = vector.broadcast %parallel_loop3A_115 : i32 to vector<16xi32>
      %parallel_loop3A_117 = arith.addi %iota3A, %parallel_loop3A_116 : vector<16xi32>
      %parallel_loop3A_118 = arith.addi %parallel_loop3A_114, %parallel_loop3A_117 : vector<16xi32>
      %parallel_loop3A_119 = tpu.vector_load_idx %arg9[%parallel_loop3A_118] : memref<12800xf32, #tpu.memory_space<vmem>>[vector<16xi32>], vector<16xf32>,
      %parallel_loop3A_120 = arith.index_cast %parallel_loop3A_106 : i32 to index
      %parallel_loop3A_121 = arith.constant 0 : index
      %parallel_loop3A_122 = tpu.vector_load %arg11[%parallel_loop3A_120, %parallel_loop3A_121] {strides = array<i32>} : memref<128x64xf32, #tpu.memory_space<vmem>>, vector<16xf32>,
      %parallel_loop3A_123 = arith.addf %parallel_loop3A_122, %parallel_loop3A_119 : vector<16xf32>
      %parallel_loop3A_124 = arith.index_cast %parallel_loop3A_106 : i32 to index
      %parallel_loop3A_125 = arith.constant 0 : index
      %parallel_loop3A_126 = tpu.vector_load %arg11[%parallel_loop3A_124, %parallel_loop3A_125] {strides = array<i32>} : memref<128x64xf32, #tpu.memory_space<vmem>>, vector<16xf32>,
      tpu.vector_store %arg11[%parallel_loop3A_124, %parallel_loop3A_125], %parallel_loop3A_123 {strides = array<i32>} : memref<128x64xf32, #tpu.memory_space<vmem>>, vector<16xf32>,
      %parallel_loop3A_127 = arith.constant 16 : i32
      %parallel_loop3A_128 = vector.broadcast %parallel_loop3A_127 : i32 to vector<16xi32>
      %parallel_loop3A_129 = arith.addi %iota3A, %parallel_loop3A_128 : vector<16xi32>
      %parallel_loop3A_130 = arith.addi %parallel_loop3A_114, %parallel_loop3A_129 : vector<16xi32>
      %parallel_loop3A_131 = tpu.vector_load_idx %arg9[%parallel_loop3A_130] : memref<12800xf32, #tpu.memory_space<vmem>>[vector<16xi32>], vector<16xf32>,
      %parallel_loop3A_132 = arith.index_cast %parallel_loop3A_106 : i32 to index
      %parallel_loop3A_133 = arith.constant 16 : index
      %parallel_loop3A_134 = tpu.vector_load %arg11[%parallel_loop3A_132, %parallel_loop3A_133] {strides = array<i32>} : memref<128x64xf32, #tpu.memory_space<vmem>>, vector<16xf32>,
      %parallel_loop3A_135 = arith.addf %parallel_loop3A_134, %parallel_loop3A_131 : vector<16xf32>
      %parallel_loop3A_136 = arith.index_cast %parallel_loop3A_106 : i32 to index
      %parallel_loop3A_137 = arith.constant 16 : index
      %parallel_loop3A_138 = tpu.vector_load %arg11[%parallel_loop3A_136, %parallel_loop3A_137] {strides = array<i32>} : memref<128x64xf32, #tpu.memory_space<vmem>>, vector<16xf32>,
      tpu.vector_store %arg11[%parallel_loop3A_136, %parallel_loop3A_137], %parallel_loop3A_135 {strides = array<i32>} : memref<128x64xf32, #tpu.memory_space<vmem>>, vector<16xf32>,
      %parallel_loop3A_139 = arith.constant 32 : i32
      %parallel_loop3A_140 = vector.broadcast %parallel_loop3A_139 : i32 to vector<16xi32>
      %parallel_loop3A_141 = arith.addi %iota3A, %parallel_loop3A_140 : vector<16xi32>
      %parallel_loop3A_142 = arith.addi %parallel_loop3A_114, %parallel_loop3A_141 : vector<16xi32>
      %parallel_loop3A_143 = tpu.vector_load_idx %arg9[%parallel_loop3A_142] : memref<12800xf32, #tpu.memory_space<vmem>>[vector<16xi32>], vector<16xf32>,
      %parallel_loop3A_144 = arith.index_cast %parallel_loop3A_106 : i32 to index
      %parallel_loop3A_145 = arith.constant 32 : index
      %parallel_loop3A_146 = tpu.vector_load %arg11[%parallel_loop3A_144, %parallel_loop3A_145] {strides = array<i32>} : memref<128x64xf32, #tpu.memory_space<vmem>>, vector<16xf32>,
      %parallel_loop3A_147 = arith.addf %parallel_loop3A_146, %parallel_loop3A_143 : vector<16xf32>
      %parallel_loop3A_148 = arith.index_cast %parallel_loop3A_106 : i32 to index
      %parallel_loop3A_149 = arith.constant 32 : index
      %parallel_loop3A_150 = tpu.vector_load %arg11[%parallel_loop3A_148, %parallel_loop3A_149] {strides = array<i32>} : memref<128x64xf32, #tpu.memory_space<vmem>>, vector<16xf32>,
      tpu.vector_store %arg11[%parallel_loop3A_148, %parallel_loop3A_149], %parallel_loop3A_147 {strides = array<i32>} : memref<128x64xf32, #tpu.memory_space<vmem>>, vector<16xf32>,
      %parallel_loop3A_151 = arith.constant 48 : i32
      %parallel_loop3A_152 = vector.broadcast %parallel_loop3A_151 : i32 to vector<16xi32>
      %parallel_loop3A_153 = arith.addi %iota3A, %parallel_loop3A_152 : vector<16xi32>
      %parallel_loop3A_154 = arith.addi %parallel_loop3A_114, %parallel_loop3A_153 : vector<16xi32>
      %parallel_loop3A_155 = tpu.vector_load_idx %arg9[%parallel_loop3A_154] : memref<12800xf32, #tpu.memory_space<vmem>>[vector<16xi32>], vector<16xf32>,
      %parallel_loop3A_156 = arith.index_cast %parallel_loop3A_106 : i32 to index
      %parallel_loop3A_157 = arith.constant 48 : index
      %parallel_loop3A_158 = tpu.vector_load %arg11[%parallel_loop3A_156, %parallel_loop3A_157] {strides = array<i32>} : memref<128x64xf32, #tpu.memory_space<vmem>>, vector<16xf32>,
      %parallel_loop3A_159 = arith.addf %parallel_loop3A_158, %parallel_loop3A_155 : vector<16xf32>
      %parallel_loop3A_160 = arith.index_cast %parallel_loop3A_106 : i32 to index
      %parallel_loop3A_161 = arith.constant 48 : index
      %parallel_loop3A_162 = tpu.vector_load %arg11[%parallel_loop3A_160, %parallel_loop3A_161] {strides = array<i32>} : memref<128x64xf32, #tpu.memory_space<vmem>>, vector<16xf32>,
      tpu.vector_store %arg11[%parallel_loop3A_160, %parallel_loop3A_161], %parallel_loop3A_159 {strides = array<i32>} : memref<128x64xf32, #tpu.memory_space<vmem>>, vector<16xf32>,
    } {sc.loop_unroll_factor = 2 : i64, sc.parallel_access}
    %add3A_43 = arith.constant 128 : i32
    %add3A_44 = arith.addi %mul3A_2, %add3A_43 : i32
    %dma_start3A_45 = arith.constant 0 : i32
    %dma_start3A_46 = tpu.memref_slice %arg6[%add3A_44, %dma_start3A_45] : memref<819200x64xf32, #tpu.memory_space<hbm>> -> memref<128x64xf32, #tpu.memory_space<hbm>>
    %dma_start3A_47 = arith.constant 0 : i32
    %dma_start3A_48 = tpu.memref_slice %arg6[%add3A_44, %dma_start3A_47] : memref<819200x64xf32, #tpu.memory_space<hbm>> -> memref<128x64xf32, #tpu.memory_space<hbm>>
    tpu.enqueue_dma source(%arg11 : memref<128x64xf32, #tpu.memory_space<vmem>>) target(%dma_start3A_48 : memref<128x64xf32, #tpu.memory_space<hbm>>) target_semaphore(%arg19 : memref<!tpu.dma_semaphore, #tpu.memory_space<semaphore_mem>>)
    %scan3A = arith.constant 0 : i32
    %scan3A_49 = arith.constant 0 : i32
    %scan3A_50 = arith.constant 49 : i32
    %scan3A_51 = arith.addi %scan3A_49, %scan3A_50 : i32
    %scan3A_52 = arith.constant 1 : i32
    scf.for %scan3A_106 = %scan3A_49 to %scan3A_51 step %scan3A_52  : i32 {
      %mul3A_107 = arith.constant 4 : i32
      %mul3A_108 = arith.muli %mul3A_107, %scan3A_106 : i32
      %add3A_109 = arith.constant 2 : i32
      %add3A_110 = arith.addi %mul3A_108, %add3A_109 : i32
      %sub3A = arith.constant 2 : i32
      %sub3A_111 = arith.subi %add3A_110, %sub3A : i32
      %mul3A_112 = arith.constant 128 : i32
      %mul3A_113 = arith.muli %sub3A_111, %mul3A_112 : i32
      %add3A_114 = arith.addi %mul3A_2, %mul3A_113 : i32
      %dma_wait3A_115 = arith.constant 0 : i32
      %dma_wait3A_116 = tpu.memref_slice %arg6[%add3A_114, %dma_wait3A_115] : memref<819200x64xf32, #tpu.memory_space<hbm>> -> memref<128x64xf32, #tpu.memory_space<hbm>>
      %dma_wait3A_117 = arith.constant 0 : i32
      %dma_wait3A_118 = tpu.memref_slice %arg6[%add3A_114, %dma_wait3A_117] : memref<819200x64xf32, #tpu.memory_space<hbm>> -> memref<128x64xf32, #tpu.memory_space<hbm>>
      tpu.wait_dma2 semaphore(%arg18 : memref<!tpu.dma_semaphore, #tpu.memory_space<semaphore_mem>>) src(%arg10 : memref<128x64xf32, #tpu.memory_space<vmem>>) dst(%dma_wait3A_118 : memref<128x64xf32, #tpu.memory_space<hbm>>)
      %add3A_119 = arith.constant 2 : i32
      %add3A_120 = arith.addi %add3A_110, %add3A_119 : i32
      %mul3A_121 = arith.constant 128 : i32
      %mul3A_122 = arith.muli %add3A_120, %mul3A_121 : i32
      %dma_start3A_123 = tpu.memref_slice %arg7[%mul3A_122] : memref<25600xi32, #tpu.memory_space<vmem>> -> memref<128xi32, #tpu.memory_space<vmem>>
      %dma_start3A_124 = arith.constant 0 : i32
      %dma_start3A_125 = arith.constant 0 : i32
      %dma_start3A_126 = tpu.memref_slice %arg4[%dma_start3A_124, %dma_start3A_125] : memref<1000000x64xf32, #tpu.memory_space<hbm>> -> memref<1000000x64xf32, #tpu.memory_space<hbm>>
      tpu.enqueue_indirect_dma source(%dma_start3A_126 : memref<1000000x64xf32, #tpu.memory_space<hbm>>) target(%arg10 : memref<128x64xf32, #tpu.memory_space<vmem>>) offsets(%dma_start3A_123 : memref<128xi32, #tpu.memory_space<vmem>>) semaphore(%arg14 : memref<!tpu.dma_semaphore, #tpu.memory_space<semaphore_mem>>)
      %mul3A_127 = arith.constant 128 : i32
      %mul3A_128 = arith.muli %add3A_110, %mul3A_127 : i32
      %dma_wait3A_129 = tpu.memref_slice %arg7[%mul3A_128] : memref<25600xi32, #tpu.memory_space<vmem>> -> memref<128xi32, #tpu.memory_space<vmem>>
      %dma_wait3A_130 = arith.constant 0 : i32
      %dma_wait3A_131 = arith.constant 0 : i32
      %dma_wait3A_132 = tpu.memref_slice %arg4[%dma_wait3A_130, %dma_wait3A_131] : memref<1000000x64xf32, #tpu.memory_space<hbm>> -> memref<1000000x64xf32, #tpu.memory_space<hbm>>
      tpu.wait_indirect_dma semaphore(%arg16 : memref<!tpu.dma_semaphore, #tpu.memory_space<semaphore_mem>>) src(%dma_wait3A_132 : memref<1000000x64xf32, #tpu.memory_space<hbm>>) dst(%arg12 : memref<128x64xf32, #tpu.memory_space<vmem>>)
      %parallel_loop3A_133 = arith.constant 0 : i32
      %parallel_loop3A_134 = arith.constant 128 : i32
      %parallel_loop3A_135 = arith.constant 1 : i32
      scf.for %parallel_loop3A_254 = %parallel_loop3A_133 to %parallel_loop3A_134 step %parallel_loop3A_135  : i32 {
        %parallel_loop3A_255 = arith.constant 128 : i32
        %parallel_loop3A_256 = arith.muli %add3A_110, %parallel_loop3A_255 : i32
        %parallel_loop3A_257 = arith.addi %parallel_loop3A_256, %parallel_loop3A_254 : i32
        %parallel_loop3A_258 = vector.broadcast %parallel_loop3A_257 : i32 to vector<16xi32>
        %parallel_loop3A_259 = arith.addi %broadcast_in_dim3A_3, %parallel_loop3A_258 : vector<16xi32>
        %parallel_loop3A_260 = tpu.vector_load_idx %arg8[%parallel_loop3A_259] : memref<25600xi32, #tpu.memory_space<vmem>>[vector<16xi32>], vector<16xi32>,
        %parallel_loop3A_261 = arith.constant 64 : i32
        %parallel_loop3A_262 = vector.broadcast %parallel_loop3A_261 : i32 to vector<16xi32>
        %parallel_loop3A_263 = arith.muli %parallel_loop3A_260, %parallel_loop3A_262 : vector<16xi32>
        %parallel_loop3A_264 = arith.constant 0 : i32
        %parallel_loop3A_265 = vector.broadcast %parallel_loop3A_264 : i32 to vector<16xi32>
        %parallel_loop3A_266 = arith.addi %iota3A, %parallel_loop3A_265 : vector<16xi32>
        %parallel_loop3A_267 = arith.addi %parallel_loop3A_263, %parallel_loop3A_266 : vector<16xi32>
        %parallel_loop3A_268 = tpu.vector_load_idx %arg9[%parallel_loop3A_267] : memref<12800xf32, #tpu.memory_space<vmem>>[vector<16xi32>], vector<16xf32>,
        %parallel_loop3A_269 = arith.index_cast %parallel_loop3A_254 : i32 to index
        %parallel_loop3A_270 = arith.constant 0 : index
        %parallel_loop3A_271 = tpu.vector_load %arg12[%parallel_loop3A_269, %parallel_loop3A_270] {strides = array<i32>} : memref<128x64xf32, #tpu.memory_space<vmem>>, vector<16xf32>,
        %parallel_loop3A_272 = arith.addf %parallel_loop3A_271, %parallel_loop3A_268 : vector<16xf32>
        %parallel_loop3A_273 = arith.index_cast %parallel_loop3A_254 : i32 to index
        %parallel_loop3A_274 = arith.constant 0 : index
        %parallel_loop3A_275 = tpu.vector_load %arg12[%parallel_loop3A_273, %parallel_loop3A_274] {strides = array<i32>} : memref<128x64xf32, #tpu.memory_space<vmem>>, vector<16xf32>,
        tpu.vector_store %arg12[%parallel_loop3A_273, %parallel_loop3A_274], %parallel_loop3A_272 {strides = array<i32>} : memref<128x64xf32, #tpu.memory_space<vmem>>, vector<16xf32>,
        %parallel_loop3A_276 = arith.constant 16 : i32
        %parallel_loop3A_277 = vector.broadcast %parallel_loop3A_276 : i32 to vector<16xi32>
        %parallel_loop3A_278 = arith.addi %iota3A, %parallel_loop3A_277 : vector<16xi32>
        %parallel_loop3A_279 = arith.addi %parallel_loop3A_263, %parallel_loop3A_278 : vector<16xi32>
        %parallel_loop3A_280 = tpu.vector_load_idx %arg9[%parallel_loop3A_279] : memref<12800xf32, #tpu.memory_space<vmem>>[vector<16xi32>], vector<16xf32>,
        %parallel_loop3A_281 = arith.index_cast %parallel_loop3A_254 : i32 to index
        %parallel_loop3A_282 = arith.constant 16 : index
        %parallel_loop3A_283 = tpu.vector_load %arg12[%parallel_loop3A_281, %parallel_loop3A_282] {strides = array<i32>} : memref<128x64xf32, #tpu.memory_space<vmem>>, vector<16xf32>,
        %parallel_loop3A_284 = arith.addf %parallel_loop3A_283, %parallel_loop3A_280 : vector<16xf32>
        %parallel_loop3A_285 = arith.index_cast %parallel_loop3A_254 : i32 to index
        %parallel_loop3A_286 = arith.constant 16 : index
        %parallel_loop3A_287 = tpu.vector_load %arg12[%parallel_loop3A_285, %parallel_loop3A_286] {strides = array<i32>} : memref<128x64xf32, #tpu.memory_space<vmem>>, vector<16xf32>,
        tpu.vector_store %arg12[%parallel_loop3A_285, %parallel_loop3A_286], %parallel_loop3A_284 {strides = array<i32>} : memref<128x64xf32, #tpu.memory_space<vmem>>, vector<16xf32>,
        %parallel_loop3A_288 = arith.constant 32 : i32
        %parallel_loop3A_289 = vector.broadcast %parallel_loop3A_288 : i32 to vector<16xi32>
        %parallel_loop3A_290 = arith.addi %iota3A, %parallel_loop3A_289 : vector<16xi32>
        %parallel_loop3A_291 = arith.addi %parallel_loop3A_263, %parallel_loop3A_290 : vector<16xi32>
        %parallel_loop3A_292 = tpu.vector_load_idx %arg9[%parallel_loop3A_291] : memref<12800xf32, #tpu.memory_space<vmem>>[vector<16xi32>], vector<16xf32>,
        %parallel_loop3A_293 = arith.index_cast %parallel_loop3A_254 : i32 to index
        %parallel_loop3A_294 = arith.constant 32 : index
        %parallel_loop3A_295 = tpu.vector_load %arg12[%parallel_loop3A_293, %parallel_loop3A_294] {strides = array<i32>} : memref<128x64xf32, #tpu.memory_space<vmem>>, vector<16xf32>,
        %parallel_loop3A_296 = arith.addf %parallel_loop3A_295, %parallel_loop3A_292 : vector<16xf32>
        %parallel_loop3A_297 = arith.index_cast %parallel_loop3A_254 : i32 to index
        %parallel_loop3A_298 = arith.constant 32 : index
        %parallel_loop3A_299 = tpu.vector_load %arg12[%parallel_loop3A_297, %parallel_loop3A_298] {strides = array<i32>} : memref<128x64xf32, #tpu.memory_space<vmem>>, vector<16xf32>,
        tpu.vector_store %arg12[%parallel_loop3A_297, %parallel_loop3A_298], %parallel_loop3A_296 {strides = array<i32>} : memref<128x64xf32, #tpu.memory_space<vmem>>, vector<16xf32>,
        %parallel_loop3A_300 = arith.constant 48 : i32
        %parallel_loop3A_301 = vector.broadcast %parallel_loop3A_300 : i32 to vector<16xi32>
        %parallel_loop3A_302 = arith.addi %iota3A, %parallel_loop3A_301 : vector<16xi32>
        %parallel_loop3A_303 = arith.addi %parallel_loop3A_263, %parallel_loop3A_302 : vector<16xi32>
        %parallel_loop3A_304 = tpu.vector_load_idx %arg9[%parallel_loop3A_303] : memref<12800xf32, #tpu.memory_space<vmem>>[vector<16xi32>], vector<16xf32>,
        %parallel_loop3A_305 = arith.index_cast %parallel_loop3A_254 : i32 to index
        %parallel_loop3A_306 = arith.constant 48 : index
        %parallel_loop3A_307 = tpu.vector_load %arg12[%parallel_loop3A_305, %parallel_loop3A_306] {strides = array<i32>} : memref<128x64xf32, #tpu.memory_space<vmem>>, vector<16xf32>,
        %parallel_loop3A_308 = arith.addf %parallel_loop3A_307, %parallel_loop3A_304 : vector<16xf32>
        %parallel_loop3A_309 = arith.index_cast %parallel_loop3A_254 : i32 to index
        %parallel_loop3A_310 = arith.constant 48 : index
        %parallel_loop3A_311 = tpu.vector_load %arg12[%parallel_loop3A_309, %parallel_loop3A_310] {strides = array<i32>} : memref<128x64xf32, #tpu.memory_space<vmem>>, vector<16xf32>,
        tpu.vector_store %arg12[%parallel_loop3A_309, %parallel_loop3A_310], %parallel_loop3A_308 {strides = array<i32>} : memref<128x64xf32, #tpu.memory_space<vmem>>, vector<16xf32>,
      } {sc.loop_unroll_factor = 2 : i64, sc.parallel_access}
      %mul3A_136 = arith.constant 128 : i32
      %mul3A_137 = arith.muli %add3A_110, %mul3A_136 : i32
      %add3A_138 = arith.addi %mul3A_2, %mul3A_137 : i32
      %dma_start3A_139 = arith.constant 0 : i32
      %dma_start3A_140 = tpu.memref_slice %arg6[%add3A_138, %dma_start3A_139] : memref<819200x64xf32, #tpu.memory_space<hbm>> -> memref<128x64xf32, #tpu.memory_space<hbm>>
      %dma_start3A_141 = arith.constant 0 : i32
      %dma_start3A_142 = tpu.memref_slice %arg6[%add3A_138, %dma_start3A_141] : memref<819200x64xf32, #tpu.memory_space<hbm>> -> memref<128x64xf32, #tpu.memory_space<hbm>>
      tpu.enqueue_dma source(%arg12 : memref<128x64xf32, #tpu.memory_space<vmem>>) target(%dma_start3A_142 : memref<128x64xf32, #tpu.memory_space<hbm>>) target_semaphore(%arg20 : memref<!tpu.dma_semaphore, #tpu.memory_space<semaphore_mem>>)
      %mul3A_143 = arith.constant 4 : i32
      %mul3A_144 = arith.muli %mul3A_143, %scan3A_106 : i32
      %add3A_145 = arith.constant 3 : i32
      %add3A_146 = arith.addi %mul3A_144, %add3A_145 : i32
      %sub3A_147 = arith.constant 2 : i32
      %sub3A_148 = arith.subi %add3A_146, %sub3A_147 : i32
      %mul3A_149 = arith.constant 128 : i32
      %mul3A_150 = arith.muli %sub3A_148, %mul3A_149 : i32
      %add3A_151 = arith.addi %mul3A_2, %mul3A_150 : i32
      %dma_wait3A_152 = arith.constant 0 : i32
      %dma_wait3A_153 = tpu.memref_slice %arg6[%add3A_151, %dma_wait3A_152] : memref<819200x64xf32, #tpu.memory_space<hbm>> -> memref<128x64xf32, #tpu.memory_space<hbm>>
      %dma_wait3A_154 = arith.constant 0 : i32
      %dma_wait3A_155 = tpu.memref_slice %arg6[%add3A_151, %dma_wait3A_154] : memref<819200x64xf32, #tpu.memory_space<hbm>> -> memref<128x64xf32, #tpu.memory_space<hbm>>
      tpu.wait_dma2 semaphore(%arg19 : memref<!tpu.dma_semaphore, #tpu.memory_space<semaphore_mem>>) src(%arg11 : memref<128x64xf32, #tpu.memory_space<vmem>>) dst(%dma_wait3A_155 : memref<128x64xf32, #tpu.memory_space<hbm>>)
      %add3A_156 = arith.constant 2 : i32
      %add3A_157 = arith.addi %add3A_146, %add3A_156 : i32
      %mul3A_158 = arith.constant 128 : i32
      %mul3A_159 = arith.muli %add3A_157, %mul3A_158 : i32
      %dma_start3A_160 = tpu.memref_slice %arg7[%mul3A_159] : memref<25600xi32, #tpu.memory_space<vmem>> -> memref<128xi32, #tpu.memory_space<vmem>>
      %dma_start3A_161 = arith.constant 0 : i32
      %dma_start3A_162 = arith.constant 0 : i32
      %dma_start3A_163 = tpu.memref_slice %arg4[%dma_start3A_161, %dma_start3A_162] : memref<1000000x64xf32, #tpu.memory_space<hbm>> -> memref<1000000x64xf32, #tpu.memory_space<hbm>>
      tpu.enqueue_indirect_dma source(%dma_start3A_163 : memref<1000000x64xf32, #tpu.memory_space<hbm>>) target(%arg11 : memref<128x64xf32, #tpu.memory_space<vmem>>) offsets(%dma_start3A_160 : memref<128xi32, #tpu.memory_space<vmem>>) semaphore(%arg15 : memref<!tpu.dma_semaphore, #tpu.memory_space<semaphore_mem>>)
      %mul3A_164 = arith.constant 128 : i32
      %mul3A_165 = arith.muli %add3A_146, %mul3A_164 : i32
      %dma_wait3A_166 = tpu.memref_slice %arg7[%mul3A_165] : memref<25600xi32, #tpu.memory_space<vmem>> -> memref<128xi32, #tpu.memory_space<vmem>>
      %dma_wait3A_167 = arith.constant 0 : i32
      %dma_wait3A_168 = arith.constant 0 : i32
      %dma_wait3A_169 = tpu.memref_slice %arg4[%dma_wait3A_167, %dma_wait3A_168] : memref<1000000x64xf32, #tpu.memory_space<hbm>> -> memref<1000000x64xf32, #tpu.memory_space<hbm>>
      tpu.wait_indirect_dma semaphore(%arg17 : memref<!tpu.dma_semaphore, #tpu.memory_space<semaphore_mem>>) src(%dma_wait3A_169 : memref<1000000x64xf32, #tpu.memory_space<hbm>>) dst(%arg13 : memref<128x64xf32, #tpu.memory_space<vmem>>)
      %parallel_loop3A_170 = arith.constant 0 : i32
      %parallel_loop3A_171 = arith.constant 128 : i32
      %parallel_loop3A_172 = arith.constant 1 : i32
      scf.for %parallel_loop3A_254 = %parallel_loop3A_170 to %parallel_loop3A_171 step %parallel_loop3A_172  : i32 {
        %parallel_loop3A_255 = arith.constant 128 : i32
        %parallel_loop3A_256 = arith.muli %add3A_146, %parallel_loop3A_255 : i32
        %parallel_loop3A_257 = arith.addi %parallel_loop3A_256, %parallel_loop3A_254 : i32
        %parallel_loop3A_258 = vector.broadcast %parallel_loop3A_257 : i32 to vector<16xi32>
        %parallel_loop3A_259 = arith.addi %broadcast_in_dim3A_3, %parallel_loop3A_258 : vector<16xi32>
        %parallel_loop3A_260 = tpu.vector_load_idx %arg8[%parallel_loop3A_259] : memref<25600xi32, #tpu.memory_space<vmem>>[vector<16xi32>], vector<16xi32>,
        %parallel_loop3A_261 = arith.constant 64 : i32
        %parallel_loop3A_262 = vector.broadcast %parallel_loop3A_261 : i32 to vector<16xi32>
        %parallel_loop3A_263 = arith.muli %parallel_loop3A_260, %parallel_loop3A_262 : vector<16xi32>
        %parallel_loop3A_264 = arith.constant 0 : i32
        %parallel_loop3A_265 = vector.broadcast %parallel_loop3A_264 : i32 to vector<16xi32>
        %parallel_loop3A_266 = arith.addi %iota3A, %parallel_loop3A_265 : vector<16xi32>
        %parallel_loop3A_267 = arith.addi %parallel_loop3A_263, %parallel_loop3A_266 : vector<16xi32>
        %parallel_loop3A_268 = tpu.vector_load_idx %arg9[%parallel_loop3A_267] : memref<12800xf32, #tpu.memory_space<vmem>>[vector<16xi32>], vector<16xf32>,
        %parallel_loop3A_269 = arith.index_cast %parallel_loop3A_254 : i32 to index
        %parallel_loop3A_270 = arith.constant 0 : index
        %parallel_loop3A_271 = tpu.vector_load %arg13[%parallel_loop3A_269, %parallel_loop3A_270] {strides = array<i32>} : memref<128x64xf32, #tpu.memory_space<vmem>>, vector<16xf32>,
        %parallel_loop3A_272 = arith.addf %parallel_loop3A_271, %parallel_loop3A_268 : vector<16xf32>
        %parallel_loop3A_273 = arith.index_cast %parallel_loop3A_254 : i32 to index
        %parallel_loop3A_274 = arith.constant 0 : index
        %parallel_loop3A_275 = tpu.vector_load %arg13[%parallel_loop3A_273, %parallel_loop3A_274] {strides = array<i32>} : memref<128x64xf32, #tpu.memory_space<vmem>>, vector<16xf32>,
        tpu.vector_store %arg13[%parallel_loop3A_273, %parallel_loop3A_274], %parallel_loop3A_272 {strides = array<i32>} : memref<128x64xf32, #tpu.memory_space<vmem>>, vector<16xf32>,
        %parallel_loop3A_276 = arith.constant 16 : i32
        %parallel_loop3A_277 = vector.broadcast %parallel_loop3A_276 : i32 to vector<16xi32>
        %parallel_loop3A_278 = arith.addi %iota3A, %parallel_loop3A_277 : vector<16xi32>
        %parallel_loop3A_279 = arith.addi %parallel_loop3A_263, %parallel_loop3A_278 : vector<16xi32>
        %parallel_loop3A_280 = tpu.vector_load_idx %arg9[%parallel_loop3A_279] : memref<12800xf32, #tpu.memory_space<vmem>>[vector<16xi32>], vector<16xf32>,
        %parallel_loop3A_281 = arith.index_cast %parallel_loop3A_254 : i32 to index
        %parallel_loop3A_282 = arith.constant 16 : index
        %parallel_loop3A_283 = tpu.vector_load %arg13[%parallel_loop3A_281, %parallel_loop3A_282] {strides = array<i32>} : memref<128x64xf32, #tpu.memory_space<vmem>>, vector<16xf32>,
        %parallel_loop3A_284 = arith.addf %parallel_loop3A_283, %parallel_loop3A_280 : vector<16xf32>
        %parallel_loop3A_285 = arith.index_cast %parallel_loop3A_254 : i32 to index
        %parallel_loop3A_286 = arith.constant 16 : index
        %parallel_loop3A_287 = tpu.vector_load %arg13[%parallel_loop3A_285, %parallel_loop3A_286] {strides = array<i32>} : memref<128x64xf32, #tpu.memory_space<vmem>>, vector<16xf32>,
        tpu.vector_store %arg13[%parallel_loop3A_285, %parallel_loop3A_286], %parallel_loop3A_284 {strides = array<i32>} : memref<128x64xf32, #tpu.memory_space<vmem>>, vector<16xf32>,
        %parallel_loop3A_288 = arith.constant 32 : i32
        %parallel_loop3A_289 = vector.broadcast %parallel_loop3A_288 : i32 to vector<16xi32>
        %parallel_loop3A_290 = arith.addi %iota3A, %parallel_loop3A_289 : vector<16xi32>
        %parallel_loop3A_291 = arith.addi %parallel_loop3A_263, %parallel_loop3A_290 : vector<16xi32>
        %parallel_loop3A_292 = tpu.vector_load_idx %arg9[%parallel_loop3A_291] : memref<12800xf32, #tpu.memory_space<vmem>>[vector<16xi32>], vector<16xf32>,
        %parallel_loop3A_293 = arith.index_cast %parallel_loop3A_254 : i32 to index
        %parallel_loop3A_294 = arith.constant 32 : index
        %parallel_loop3A_295 = tpu.vector_load %arg13[%parallel_loop3A_293, %parallel_loop3A_294] {strides = array<i32>} : memref<128x64xf32, #tpu.memory_space<vmem>>, vector<16xf32>,
        %parallel_loop3A_296 = arith.addf %parallel_loop3A_295, %parallel_loop3A_292 : vector<16xf32>
        %parallel_loop3A_297 = arith.index_cast %parallel_loop3A_254 : i32 to index
        %parallel_loop3A_298 = arith.constant 32 : index
        %parallel_loop3A_299 = tpu.vector_load %arg13[%parallel_loop3A_297, %parallel_loop3A_298] {strides = array<i32>} : memref<128x64xf32, #tpu.memory_space<vmem>>, vector<16xf32>,
        tpu.vector_store %arg13[%parallel_loop3A_297, %parallel_loop3A_298], %parallel_loop3A_296 {strides = array<i32>} : memref<128x64xf32, #tpu.memory_space<vmem>>, vector<16xf32>,
        %parallel_loop3A_300 = arith.constant 48 : i32
        %parallel_loop3A_301 = vector.broadcast %parallel_loop3A_300 : i32 to vector<16xi32>
        %parallel_loop3A_302 = arith.addi %iota3A, %parallel_loop3A_301 : vector<16xi32>
        %parallel_loop3A_303 = arith.addi %parallel_loop3A_263, %parallel_loop3A_302 : vector<16xi32>
        %parallel_loop3A_304 = tpu.vector_load_idx %arg9[%parallel_loop3A_303] : memref<12800xf32, #tpu.memory_space<vmem>>[vector<16xi32>], vector<16xf32>,
        %parallel_loop3A_305 = arith.index_cast %parallel_loop3A_254 : i32 to index
        %parallel_loop3A_306 = arith.constant 48 : index
        %parallel_loop3A_307 = tpu.vector_load %arg13[%parallel_loop3A_305, %parallel_loop3A_306] {strides = array<i32>} : memref<128x64xf32, #tpu.memory_space<vmem>>, vector<16xf32>,
        %parallel_loop3A_308 = arith.addf %parallel_loop3A_307, %parallel_loop3A_304 : vector<16xf32>
        %parallel_loop3A_309 = arith.index_cast %parallel_loop3A_254 : i32 to index
        %parallel_loop3A_310 = arith.constant 48 : index
        %parallel_loop3A_311 = tpu.vector_load %arg13[%parallel_loop3A_309, %parallel_loop3A_310] {strides = array<i32>} : memref<128x64xf32, #tpu.memory_space<vmem>>, vector<16xf32>,
        tpu.vector_store %arg13[%parallel_loop3A_309, %parallel_loop3A_310], %parallel_loop3A_308 {strides = array<i32>} : memref<128x64xf32, #tpu.memory_space<vmem>>, vector<16xf32>,
      } {sc.loop_unroll_factor = 2 : i64, sc.parallel_access}
      %mul3A_173 = arith.constant 128 : i32
      %mul3A_174 = arith.muli %add3A_146, %mul3A_173 : i32
      %add3A_175 = arith.addi %mul3A_2, %mul3A_174 : i32
      %dma_start3A_176 = arith.constant 0 : i32
      %dma_start3A_177 = tpu.memref_slice %arg6[%add3A_175, %dma_start3A_176] : memref<819200x64xf32, #tpu.memory_space<hbm>> -> memref<128x64xf32, #tpu.memory_space<hbm>>
      %dma_start3A_178 = arith.constant 0 : i32
      %dma_start3A_179 = tpu.memref_slice %arg6[%add3A_175, %dma_start3A_178] : memref<819200x64xf32, #tpu.memory_space<hbm>> -> memref<128x64xf32, #tpu.memory_space<hbm>>
      tpu.enqueue_dma source(%arg13 : memref<128x64xf32, #tpu.memory_space<vmem>>) target(%dma_start3A_179 : memref<128x64xf32, #tpu.memory_space<hbm>>) target_semaphore(%arg21 : memref<!tpu.dma_semaphore, #tpu.memory_space<semaphore_mem>>)
      %mul3A_180 = arith.constant 4 : i32
      %mul3A_181 = arith.muli %mul3A_180, %scan3A_106 : i32
      %add3A_182 = arith.constant 4 : i32
      %add3A_183 = arith.addi %mul3A_181, %add3A_182 : i32
      %sub3A_184 = arith.constant 2 : i32
      %sub3A_185 = arith.subi %add3A_183, %sub3A_184 : i32
      %mul3A_186 = arith.constant 128 : i32
      %mul3A_187 = arith.muli %sub3A_185, %mul3A_186 : i32
      %add3A_188 = arith.addi %mul3A_2, %mul3A_187 : i32
      %dma_wait3A_189 = arith.constant 0 : i32
      %dma_wait3A_190 = tpu.memref_slice %arg6[%add3A_188, %dma_wait3A_189] : memref<819200x64xf32, #tpu.memory_space<hbm>> -> memref<128x64xf32, #tpu.memory_space<hbm>>
      %dma_wait3A_191 = arith.constant 0 : i32
      %dma_wait3A_192 = tpu.memref_slice %arg6[%add3A_188, %dma_wait3A_191] : memref<819200x64xf32, #tpu.memory_space<hbm>> -> memref<128x64xf32, #tpu.memory_space<hbm>>
      tpu.wait_dma2 semaphore(%arg20 : memref<!tpu.dma_semaphore, #tpu.memory_space<semaphore_mem>>) src(%arg12 : memref<128x64xf32, #tpu.memory_space<vmem>>) dst(%dma_wait3A_192 : memref<128x64xf32, #tpu.memory_space<hbm>>)
      %add3A_193 = arith.constant 2 : i32
      %add3A_194 = arith.addi %add3A_183, %add3A_193 : i32
      %mul3A_195 = arith.constant 128 : i32
      %mul3A_196 = arith.muli %add3A_194, %mul3A_195 : i32
      %dma_start3A_197 = tpu.memref_slice %arg7[%mul3A_196] : memref<25600xi32, #tpu.memory_space<vmem>> -> memref<128xi32, #tpu.memory_space<vmem>>
      %dma_start3A_198 = arith.constant 0 : i32
      %dma_start3A_199 = arith.constant 0 : i32
      %dma_start3A_200 = tpu.memref_slice %arg4[%dma_start3A_198, %dma_start3A_199] : memref<1000000x64xf32, #tpu.memory_space<hbm>> -> memref<1000000x64xf32, #tpu.memory_space<hbm>>
      tpu.enqueue_indirect_dma source(%dma_start3A_200 : memref<1000000x64xf32, #tpu.memory_space<hbm>>) target(%arg12 : memref<128x64xf32, #tpu.memory_space<vmem>>) offsets(%dma_start3A_197 : memref<128xi32, #tpu.memory_space<vmem>>) semaphore(%arg16 : memref<!tpu.dma_semaphore, #tpu.memory_space<semaphore_mem>>)
      %mul3A_201 = arith.constant 128 : i32
      %mul3A_202 = arith.muli %add3A_183, %mul3A_201 : i32
      %dma_wait3A_203 = tpu.memref_slice %arg7[%mul3A_202] : memref<25600xi32, #tpu.memory_space<vmem>> -> memref<128xi32, #tpu.memory_space<vmem>>
      %dma_wait3A_204 = arith.constant 0 : i32
      %dma_wait3A_205 = arith.constant 0 : i32
      %dma_wait3A_206 = tpu.memref_slice %arg4[%dma_wait3A_204, %dma_wait3A_205] : memref<1000000x64xf32, #tpu.memory_space<hbm>> -> memref<1000000x64xf32, #tpu.memory_space<hbm>>
      tpu.wait_indirect_dma semaphore(%arg14 : memref<!tpu.dma_semaphore, #tpu.memory_space<semaphore_mem>>) src(%dma_wait3A_206 : memref<1000000x64xf32, #tpu.memory_space<hbm>>) dst(%arg10 : memref<128x64xf32, #tpu.memory_space<vmem>>)
      %parallel_loop3A_207 = arith.constant 0 : i32
      %parallel_loop3A_208 = arith.constant 128 : i32
      %parallel_loop3A_209 = arith.constant 1 : i32
      scf.for %parallel_loop3A_254 = %parallel_loop3A_207 to %parallel_loop3A_208 step %parallel_loop3A_209  : i32 {
        %parallel_loop3A_255 = arith.constant 128 : i32
        %parallel_loop3A_256 = arith.muli %add3A_183, %parallel_loop3A_255 : i32
        %parallel_loop3A_257 = arith.addi %parallel_loop3A_256, %parallel_loop3A_254 : i32
        %parallel_loop3A_258 = vector.broadcast %parallel_loop3A_257 : i32 to vector<16xi32>
        %parallel_loop3A_259 = arith.addi %broadcast_in_dim3A_3, %parallel_loop3A_258 : vector<16xi32>
        %parallel_loop3A_260 = tpu.vector_load_idx %arg8[%parallel_loop3A_259] : memref<25600xi32, #tpu.memory_space<vmem>>[vector<16xi32>], vector<16xi32>,
        %parallel_loop3A_261 = arith.constant 64 : i32
        %parallel_loop3A_262 = vector.broadcast %parallel_loop3A_261 : i32 to vector<16xi32>
        %parallel_loop3A_263 = arith.muli %parallel_loop3A_260, %parallel_loop3A_262 : vector<16xi32>
        %parallel_loop3A_264 = arith.constant 0 : i32
        %parallel_loop3A_265 = vector.broadcast %parallel_loop3A_264 : i32 to vector<16xi32>
        %parallel_loop3A_266 = arith.addi %iota3A, %parallel_loop3A_265 : vector<16xi32>
        %parallel_loop3A_267 = arith.addi %parallel_loop3A_263, %parallel_loop3A_266 : vector<16xi32>
        %parallel_loop3A_268 = tpu.vector_load_idx %arg9[%parallel_loop3A_267] : memref<12800xf32, #tpu.memory_space<vmem>>[vector<16xi32>], vector<16xf32>,
        %parallel_loop3A_269 = arith.index_cast %parallel_loop3A_254 : i32 to index
        %parallel_loop3A_270 = arith.constant 0 : index
        %parallel_loop3A_271 = tpu.vector_load %arg10[%parallel_loop3A_269, %parallel_loop3A_270] {strides = array<i32>} : memref<128x64xf32, #tpu.memory_space<vmem>>, vector<16xf32>,
        %parallel_loop3A_272 = arith.addf %parallel_loop3A_271, %parallel_loop3A_268 : vector<16xf32>
        %parallel_loop3A_273 = arith.index_cast %parallel_loop3A_254 : i32 to index
        %parallel_loop3A_274 = arith.constant 0 : index
        %parallel_loop3A_275 = tpu.vector_load %arg10[%parallel_loop3A_273, %parallel_loop3A_274] {strides = array<i32>} : memref<128x64xf32, #tpu.memory_space<vmem>>, vector<16xf32>,
        tpu.vector_store %arg10[%parallel_loop3A_273, %parallel_loop3A_274], %parallel_loop3A_272 {strides = array<i32>} : memref<128x64xf32, #tpu.memory_space<vmem>>, vector<16xf32>,
        %parallel_loop3A_276 = arith.constant 16 : i32
        %parallel_loop3A_277 = vector.broadcast %parallel_loop3A_276 : i32 to vector<16xi32>
        %parallel_loop3A_278 = arith.addi %iota3A, %parallel_loop3A_277 : vector<16xi32>
        %parallel_loop3A_279 = arith.addi %parallel_loop3A_263, %parallel_loop3A_278 : vector<16xi32>
        %parallel_loop3A_280 = tpu.vector_load_idx %arg9[%parallel_loop3A_279] : memref<12800xf32, #tpu.memory_space<vmem>>[vector<16xi32>], vector<16xf32>,
        %parallel_loop3A_281 = arith.index_cast %parallel_loop3A_254 : i32 to index
        %parallel_loop3A_282 = arith.constant 16 : index
        %parallel_loop3A_283 = tpu.vector_load %arg10[%parallel_loop3A_281, %parallel_loop3A_282] {strides = array<i32>} : memref<128x64xf32, #tpu.memory_space<vmem>>, vector<16xf32>,
        %parallel_loop3A_284 = arith.addf %parallel_loop3A_283, %parallel_loop3A_280 : vector<16xf32>
        %parallel_loop3A_285 = arith.index_cast %parallel_loop3A_254 : i32 to index
        %parallel_loop3A_286 = arith.constant 16 : index
        %parallel_loop3A_287 = tpu.vector_load %arg10[%parallel_loop3A_285, %parallel_loop3A_286] {strides = array<i32>} : memref<128x64xf32, #tpu.memory_space<vmem>>, vector<16xf32>,
        tpu.vector_store %arg10[%parallel_loop3A_285, %parallel_loop3A_286], %parallel_loop3A_284 {strides = array<i32>} : memref<128x64xf32, #tpu.memory_space<vmem>>, vector<16xf32>,
        %parallel_loop3A_288 = arith.constant 32 : i32
        %parallel_loop3A_289 = vector.broadcast %parallel_loop3A_288 : i32 to vector<16xi32>
        %parallel_loop3A_290 = arith.addi %iota3A, %parallel_loop3A_289 : vector<16xi32>
        %parallel_loop3A_291 = arith.addi %parallel_loop3A_263, %parallel_loop3A_290 : vector<16xi32>
        %parallel_loop3A_292 = tpu.vector_load_idx %arg9[%parallel_loop3A_291] : memref<12800xf32, #tpu.memory_space<vmem>>[vector<16xi32>], vector<16xf32>,
        %parallel_loop3A_293 = arith.index_cast %parallel_loop3A_254 : i32 to index
        %parallel_loop3A_294 = arith.constant 32 : index
        %parallel_loop3A_295 = tpu.vector_load %arg10[%parallel_loop3A_293, %parallel_loop3A_294] {strides = array<i32>} : memref<128x64xf32, #tpu.memory_space<vmem>>, vector<16xf32>,
        %parallel_loop3A_296 = arith.addf %parallel_loop3A_295, %parallel_loop3A_292 : vector<16xf32>
        %parallel_loop3A_297 = arith.index_cast %parallel_loop3A_254 : i32 to index
        %parallel_loop3A_298 = arith.constant 32 : index
        %parallel_loop3A_299 = tpu.vector_load %arg10[%parallel_loop3A_297, %parallel_loop3A_298] {strides = array<i32>} : memref<128x64xf32, #tpu.memory_space<vmem>>, vector<16xf32>,
        tpu.vector_store %arg10[%parallel_loop3A_297, %parallel_loop3A_298], %parallel_loop3A_296 {strides = array<i32>} : memref<128x64xf32, #tpu.memory_space<vmem>>, vector<16xf32>,
        %parallel_loop3A_300 = arith.constant 48 : i32
        %parallel_loop3A_301 = vector.broadcast %parallel_loop3A_300 : i32 to vector<16xi32>
        %parallel_loop3A_302 = arith.addi %iota3A, %parallel_loop3A_301 : vector<16xi32>
        %parallel_loop3A_303 = arith.addi %parallel_loop3A_263, %parallel_loop3A_302 : vector<16xi32>
        %parallel_loop3A_304 = tpu.vector_load_idx %arg9[%parallel_loop3A_303] : memref<12800xf32, #tpu.memory_space<vmem>>[vector<16xi32>], vector<16xf32>,
        %parallel_loop3A_305 = arith.index_cast %parallel_loop3A_254 : i32 to index
        %parallel_loop3A_306 = arith.constant 48 : index
        %parallel_loop3A_307 = tpu.vector_load %arg10[%parallel_loop3A_305, %parallel_loop3A_306] {strides = array<i32>} : memref<128x64xf32, #tpu.memory_space<vmem>>, vector<16xf32>,
        %parallel_loop3A_308 = arith.addf %parallel_loop3A_307, %parallel_loop3A_304 : vector<16xf32>
        %parallel_loop3A_309 = arith.index_cast %parallel_loop3A_254 : i32 to index
        %parallel_loop3A_310 = arith.constant 48 : index
        %parallel_loop3A_311 = tpu.vector_load %arg10[%parallel_loop3A_309, %parallel_loop3A_310] {strides = array<i32>} : memref<128x64xf32, #tpu.memory_space<vmem>>, vector<16xf32>,
        tpu.vector_store %arg10[%parallel_loop3A_309, %parallel_loop3A_310], %parallel_loop3A_308 {strides = array<i32>} : memref<128x64xf32, #tpu.memory_space<vmem>>, vector<16xf32>,
      } {sc.loop_unroll_factor = 2 : i64, sc.parallel_access}
      %mul3A_210 = arith.constant 128 : i32
      %mul3A_211 = arith.muli %add3A_183, %mul3A_210 : i32
      %add3A_212 = arith.addi %mul3A_2, %mul3A_211 : i32
      %dma_start3A_213 = arith.constant 0 : i32
      %dma_start3A_214 = tpu.memref_slice %arg6[%add3A_212, %dma_start3A_213] : memref<819200x64xf32, #tpu.memory_space<hbm>> -> memref<128x64xf32, #tpu.memory_space<hbm>>
      %dma_start3A_215 = arith.constant 0 : i32
      %dma_start3A_216 = tpu.memref_slice %arg6[%add3A_212, %dma_start3A_215] : memref<819200x64xf32, #tpu.memory_space<hbm>> -> memref<128x64xf32, #tpu.memory_space<hbm>>
      tpu.enqueue_dma source(%arg10 : memref<128x64xf32, #tpu.memory_space<vmem>>) target(%dma_start3A_216 : memref<128x64xf32, #tpu.memory_space<hbm>>) target_semaphore(%arg18 : memref<!tpu.dma_semaphore, #tpu.memory_space<semaphore_mem>>)
      %mul3A_217 = arith.constant 4 : i32
      %mul3A_218 = arith.muli %mul3A_217, %scan3A_106 : i32
      %add3A_219 = arith.constant 5 : i32
      %add3A_220 = arith.addi %mul3A_218, %add3A_219 : i32
      %sub3A_221 = arith.constant 2 : i32
      %sub3A_222 = arith.subi %add3A_220, %sub3A_221 : i32
      %mul3A_223 = arith.constant 128 : i32
      %mul3A_224 = arith.muli %sub3A_222, %mul3A_223 : i32
      %add3A_225 = arith.addi %mul3A_2, %mul3A_224 : i32
      %dma_wait3A_226 = arith.constant 0 : i32
      %dma_wait3A_227 = tpu.memref_slice %arg6[%add3A_225, %dma_wait3A_226] : memref<819200x64xf32, #tpu.memory_space<hbm>> -> memref<128x64xf32, #tpu.memory_space<hbm>>
      %dma_wait3A_228 = arith.constant 0 : i32
      %dma_wait3A_229 = tpu.memref_slice %arg6[%add3A_225, %dma_wait3A_228] : memref<819200x64xf32, #tpu.memory_space<hbm>> -> memref<128x64xf32, #tpu.memory_space<hbm>>
      tpu.wait_dma2 semaphore(%arg21 : memref<!tpu.dma_semaphore, #tpu.memory_space<semaphore_mem>>) src(%arg13 : memref<128x64xf32, #tpu.memory_space<vmem>>) dst(%dma_wait3A_229 : memref<128x64xf32, #tpu.memory_space<hbm>>)
      %add3A_230 = arith.constant 2 : i32
      %add3A_231 = arith.addi %add3A_220, %add3A_230 : i32
      %mul3A_232 = arith.constant 128 : i32
      %mul3A_233 = arith.muli %add3A_231, %mul3A_232 : i32
      %dma_start3A_234 = tpu.memref_slice %arg7[%mul3A_233] : memref<25600xi32, #tpu.memory_space<vmem>> -> memref<128xi32, #tpu.memory_space<vmem>>
      %dma_start3A_235 = arith.constant 0 : i32
      %dma_start3A_236 = arith.constant 0 : i32
      %dma_start3A_237 = tpu.memref_slice %arg4[%dma_start3A_235, %dma_start3A_236] : memref<1000000x64xf32, #tpu.memory_space<hbm>> -> memref<1000000x64xf32, #tpu.memory_space<hbm>>
      tpu.enqueue_indirect_dma source(%dma_start3A_237 : memref<1000000x64xf32, #tpu.memory_space<hbm>>) target(%arg13 : memref<128x64xf32, #tpu.memory_space<vmem>>) offsets(%dma_start3A_234 : memref<128xi32, #tpu.memory_space<vmem>>) semaphore(%arg17 : memref<!tpu.dma_semaphore, #tpu.memory_space<semaphore_mem>>)
      %mul3A_238 = arith.constant 128 : i32
      %mul3A_239 = arith.muli %add3A_220, %mul3A_238 : i32
      %dma_wait3A_240 = tpu.memref_slice %arg7[%mul3A_239] : memref<25600xi32, #tpu.memory_space<vmem>> -> memref<128xi32, #tpu.memory_space<vmem>>
      %dma_wait3A_241 = arith.constant 0 : i32
      %dma_wait3A_242 = arith.constant 0 : i32
      %dma_wait3A_243 = tpu.memref_slice %arg4[%dma_wait3A_241, %dma_wait3A_242] : memref<1000000x64xf32, #tpu.memory_space<hbm>> -> memref<1000000x64xf32, #tpu.memory_space<hbm>>
      tpu.wait_indirect_dma semaphore(%arg15 : memref<!tpu.dma_semaphore, #tpu.memory_space<semaphore_mem>>) src(%dma_wait3A_243 : memref<1000000x64xf32, #tpu.memory_space<hbm>>) dst(%arg11 : memref<128x64xf32, #tpu.memory_space<vmem>>)
      %parallel_loop3A_244 = arith.constant 0 : i32
      %parallel_loop3A_245 = arith.constant 128 : i32
      %parallel_loop3A_246 = arith.constant 1 : i32
      scf.for %parallel_loop3A_254 = %parallel_loop3A_244 to %parallel_loop3A_245 step %parallel_loop3A_246  : i32 {
        %parallel_loop3A_255 = arith.constant 128 : i32
        %parallel_loop3A_256 = arith.muli %add3A_220, %parallel_loop3A_255 : i32
        %parallel_loop3A_257 = arith.addi %parallel_loop3A_256, %parallel_loop3A_254 : i32
        %parallel_loop3A_258 = vector.broadcast %parallel_loop3A_257 : i32 to vector<16xi32>
        %parallel_loop3A_259 = arith.addi %broadcast_in_dim3A_3, %parallel_loop3A_258 : vector<16xi32>
        %parallel_loop3A_260 = tpu.vector_load_idx %arg8[%parallel_loop3A_259] : memref<25600xi32, #tpu.memory_space<vmem>>[vector<16xi32>], vector<16xi32>,
        %parallel_loop3A_261 = arith.constant 64 : i32
        %parallel_loop3A_262 = vector.broadcast %parallel_loop3A_261 : i32 to vector<16xi32>
        %parallel_loop3A_263 = arith.muli %parallel_loop3A_260, %parallel_loop3A_262 : vector<16xi32>
        %parallel_loop3A_264 = arith.constant 0 : i32
        %parallel_loop3A_265 = vector.broadcast %parallel_loop3A_264 : i32 to vector<16xi32>
        %parallel_loop3A_266 = arith.addi %iota3A, %parallel_loop3A_265 : vector<16xi32>
        %parallel_loop3A_267 = arith.addi %parallel_loop3A_263, %parallel_loop3A_266 : vector<16xi32>
        %parallel_loop3A_268 = tpu.vector_load_idx %arg9[%parallel_loop3A_267] : memref<12800xf32, #tpu.memory_space<vmem>>[vector<16xi32>], vector<16xf32>,
        %parallel_loop3A_269 = arith.index_cast %parallel_loop3A_254 : i32 to index
        %parallel_loop3A_270 = arith.constant 0 : index
        %parallel_loop3A_271 = tpu.vector_load %arg11[%parallel_loop3A_269, %parallel_loop3A_270] {strides = array<i32>} : memref<128x64xf32, #tpu.memory_space<vmem>>, vector<16xf32>,
        %parallel_loop3A_272 = arith.addf %parallel_loop3A_271, %parallel_loop3A_268 : vector<16xf32>
        %parallel_loop3A_273 = arith.index_cast %parallel_loop3A_254 : i32 to index
        %parallel_loop3A_274 = arith.constant 0 : index
        %parallel_loop3A_275 = tpu.vector_load %arg11[%parallel_loop3A_273, %parallel_loop3A_274] {strides = array<i32>} : memref<128x64xf32, #tpu.memory_space<vmem>>, vector<16xf32>,
        tpu.vector_store %arg11[%parallel_loop3A_273, %parallel_loop3A_274], %parallel_loop3A_272 {strides = array<i32>} : memref<128x64xf32, #tpu.memory_space<vmem>>, vector<16xf32>,
        %parallel_loop3A_276 = arith.constant 16 : i32
        %parallel_loop3A_277 = vector.broadcast %parallel_loop3A_276 : i32 to vector<16xi32>
        %parallel_loop3A_278 = arith.addi %iota3A, %parallel_loop3A_277 : vector<16xi32>
        %parallel_loop3A_279 = arith.addi %parallel_loop3A_263, %parallel_loop3A_278 : vector<16xi32>
        %parallel_loop3A_280 = tpu.vector_load_idx %arg9[%parallel_loop3A_279] : memref<12800xf32, #tpu.memory_space<vmem>>[vector<16xi32>], vector<16xf32>,
        %parallel_loop3A_281 = arith.index_cast %parallel_loop3A_254 : i32 to index
        %parallel_loop3A_282 = arith.constant 16 : index
        %parallel_loop3A_283 = tpu.vector_load %arg11[%parallel_loop3A_281, %parallel_loop3A_282] {strides = array<i32>} : memref<128x64xf32, #tpu.memory_space<vmem>>, vector<16xf32>,
        %parallel_loop3A_284 = arith.addf %parallel_loop3A_283, %parallel_loop3A_280 : vector<16xf32>
        %parallel_loop3A_285 = arith.index_cast %parallel_loop3A_254 : i32 to index
        %parallel_loop3A_286 = arith.constant 16 : index
        %parallel_loop3A_287 = tpu.vector_load %arg11[%parallel_loop3A_285, %parallel_loop3A_286] {strides = array<i32>} : memref<128x64xf32, #tpu.memory_space<vmem>>, vector<16xf32>,
        tpu.vector_store %arg11[%parallel_loop3A_285, %parallel_loop3A_286], %parallel_loop3A_284 {strides = array<i32>} : memref<128x64xf32, #tpu.memory_space<vmem>>, vector<16xf32>,
        %parallel_loop3A_288 = arith.constant 32 : i32
        %parallel_loop3A_289 = vector.broadcast %parallel_loop3A_288 : i32 to vector<16xi32>
        %parallel_loop3A_290 = arith.addi %iota3A, %parallel_loop3A_289 : vector<16xi32>
        %parallel_loop3A_291 = arith.addi %parallel_loop3A_263, %parallel_loop3A_290 : vector<16xi32>
        %parallel_loop3A_292 = tpu.vector_load_idx %arg9[%parallel_loop3A_291] : memref<12800xf32, #tpu.memory_space<vmem>>[vector<16xi32>], vector<16xf32>,
        %parallel_loop3A_293 = arith.index_cast %parallel_loop3A_254 : i32 to index
        %parallel_loop3A_294 = arith.constant 32 : index
        %parallel_loop3A_295 = tpu.vector_load %arg11[%parallel_loop3A_293, %parallel_loop3A_294] {strides = array<i32>} : memref<128x64xf32, #tpu.memory_space<vmem>>, vector<16xf32>,
        %parallel_loop3A_296 = arith.addf %parallel_loop3A_295, %parallel_loop3A_292 : vector<16xf32>
        %parallel_loop3A_297 = arith.index_cast %parallel_loop3A_254 : i32 to index
        %parallel_loop3A_298 = arith.constant 32 : index
        %parallel_loop3A_299 = tpu.vector_load %arg11[%parallel_loop3A_297, %parallel_loop3A_298] {strides = array<i32>} : memref<128x64xf32, #tpu.memory_space<vmem>>, vector<16xf32>,
        tpu.vector_store %arg11[%parallel_loop3A_297, %parallel_loop3A_298], %parallel_loop3A_296 {strides = array<i32>} : memref<128x64xf32, #tpu.memory_space<vmem>>, vector<16xf32>,
        %parallel_loop3A_300 = arith.constant 48 : i32
        %parallel_loop3A_301 = vector.broadcast %parallel_loop3A_300 : i32 to vector<16xi32>
        %parallel_loop3A_302 = arith.addi %iota3A, %parallel_loop3A_301 : vector<16xi32>
        %parallel_loop3A_303 = arith.addi %parallel_loop3A_263, %parallel_loop3A_302 : vector<16xi32>
        %parallel_loop3A_304 = tpu.vector_load_idx %arg9[%parallel_loop3A_303] : memref<12800xf32, #tpu.memory_space<vmem>>[vector<16xi32>], vector<16xf32>,
        %parallel_loop3A_305 = arith.index_cast %parallel_loop3A_254 : i32 to index
        %parallel_loop3A_306 = arith.constant 48 : index
        %parallel_loop3A_307 = tpu.vector_load %arg11[%parallel_loop3A_305, %parallel_loop3A_306] {strides = array<i32>} : memref<128x64xf32, #tpu.memory_space<vmem>>, vector<16xf32>,
        %parallel_loop3A_308 = arith.addf %parallel_loop3A_307, %parallel_loop3A_304 : vector<16xf32>
        %parallel_loop3A_309 = arith.index_cast %parallel_loop3A_254 : i32 to index
        %parallel_loop3A_310 = arith.constant 48 : index
        %parallel_loop3A_311 = tpu.vector_load %arg11[%parallel_loop3A_309, %parallel_loop3A_310] {strides = array<i32>} : memref<128x64xf32, #tpu.memory_space<vmem>>, vector<16xf32>,
        tpu.vector_store %arg11[%parallel_loop3A_309, %parallel_loop3A_310], %parallel_loop3A_308 {strides = array<i32>} : memref<128x64xf32, #tpu.memory_space<vmem>>, vector<16xf32>,
      } {sc.loop_unroll_factor = 2 : i64, sc.parallel_access}
      %mul3A_247 = arith.constant 128 : i32
      %mul3A_248 = arith.muli %add3A_220, %mul3A_247 : i32
      %add3A_249 = arith.addi %mul3A_2, %mul3A_248 : i32
      %dma_start3A_250 = arith.constant 0 : i32
      %dma_start3A_251 = tpu.memref_slice %arg6[%add3A_249, %dma_start3A_250] : memref<819200x64xf32, #tpu.memory_space<hbm>> -> memref<128x64xf32, #tpu.memory_space<hbm>>
      %dma_start3A_252 = arith.constant 0 : i32
      %dma_start3A_253 = tpu.memref_slice %arg6[%add3A_249, %dma_start3A_252] : memref<819200x64xf32, #tpu.memory_space<hbm>> -> memref<128x64xf32, #tpu.memory_space<hbm>>
      tpu.enqueue_dma source(%arg11 : memref<128x64xf32, #tpu.memory_space<vmem>>) target(%dma_start3A_253 : memref<128x64xf32, #tpu.memory_space<hbm>>) target_semaphore(%arg19 : memref<!tpu.dma_semaphore, #tpu.memory_space<semaphore_mem>>)
    }
    %scan3A_53 = arith.constant 49 : i32
    %add3A_54 = arith.constant 25088 : i32
    %add3A_55 = arith.addi %mul3A_2, %add3A_54 : i32
    %dma_wait3A_56 = arith.constant 0 : i32
    %dma_wait3A_57 = tpu.memref_slice %arg6[%add3A_55, %dma_wait3A_56] : memref<819200x64xf32, #tpu.memory_space<hbm>> -> memref<128x64xf32, #tpu.memory_space<hbm>>
    %dma_wait3A_58 = arith.constant 0 : i32
    %dma_wait3A_59 = tpu.memref_slice %arg6[%add3A_55, %dma_wait3A_58] : memref<819200x64xf32, #tpu.memory_space<hbm>> -> memref<128x64xf32, #tpu.memory_space<hbm>>
    tpu.wait_dma2 semaphore(%arg18 : memref<!tpu.dma_semaphore, #tpu.memory_space<semaphore_mem>>) src(%arg10 : memref<128x64xf32, #tpu.memory_space<vmem>>) dst(%dma_wait3A_59 : memref<128x64xf32, #tpu.memory_space<hbm>>)
    %dma_wait3A_60 = arith.constant 25344 : i32
    %dma_wait3A_61 = tpu.memref_slice %arg7[%dma_wait3A_60] : memref<25600xi32, #tpu.memory_space<vmem>> -> memref<128xi32, #tpu.memory_space<vmem>>
    %dma_wait3A_62 = arith.constant 0 : i32
    %dma_wait3A_63 = arith.constant 0 : i32
    %dma_wait3A_64 = tpu.memref_slice %arg4[%dma_wait3A_62, %dma_wait3A_63] : memref<1000000x64xf32, #tpu.memory_space<hbm>> -> memref<1000000x64xf32, #tpu.memory_space<hbm>>
    tpu.wait_indirect_dma semaphore(%arg16 : memref<!tpu.dma_semaphore, #tpu.memory_space<semaphore_mem>>) src(%dma_wait3A_64 : memref<1000000x64xf32, #tpu.memory_space<hbm>>) dst(%arg12 : memref<128x64xf32, #tpu.memory_space<vmem>>)
    %parallel_loop3A_65 = arith.constant 0 : i32
    %parallel_loop3A_66 = arith.constant 128 : i32
    %parallel_loop3A_67 = arith.constant 1 : i32
    scf.for %parallel_loop3A_106 = %parallel_loop3A_65 to %parallel_loop3A_66 step %parallel_loop3A_67  : i32 {
      %parallel_loop3A_107 = arith.constant 25344 : i32
      %parallel_loop3A_108 = arith.addi %parallel_loop3A_107, %parallel_loop3A_106 : i32
      %parallel_loop3A_109 = vector.broadcast %parallel_loop3A_108 : i32 to vector<16xi32>
      %parallel_loop3A_110 = arith.addi %broadcast_in_dim3A_3, %parallel_loop3A_109 : vector<16xi32>
      %parallel_loop3A_111 = tpu.vector_load_idx %arg8[%parallel_loop3A_110] : memref<25600xi32, #tpu.memory_space<vmem>>[vector<16xi32>], vector<16xi32>,
      %parallel_loop3A_112 = arith.constant 64 : i32
      %parallel_loop3A_113 = vector.broadcast %parallel_loop3A_112 : i32 to vector<16xi32>
      %parallel_loop3A_114 = arith.muli %parallel_loop3A_111, %parallel_loop3A_113 : vector<16xi32>
      %parallel_loop3A_115 = arith.constant 0 : i32
      %parallel_loop3A_116 = vector.broadcast %parallel_loop3A_115 : i32 to vector<16xi32>
      %parallel_loop3A_117 = arith.addi %iota3A, %parallel_loop3A_116 : vector<16xi32>
      %parallel_loop3A_118 = arith.addi %parallel_loop3A_114, %parallel_loop3A_117 : vector<16xi32>
      %parallel_loop3A_119 = tpu.vector_load_idx %arg9[%parallel_loop3A_118] : memref<12800xf32, #tpu.memory_space<vmem>>[vector<16xi32>], vector<16xf32>,
      %parallel_loop3A_120 = arith.index_cast %parallel_loop3A_106 : i32 to index
      %parallel_loop3A_121 = arith.constant 0 : index
      %parallel_loop3A_122 = tpu.vector_load %arg12[%parallel_loop3A_120, %parallel_loop3A_121] {strides = array<i32>} : memref<128x64xf32, #tpu.memory_space<vmem>>, vector<16xf32>,
      %parallel_loop3A_123 = arith.addf %parallel_loop3A_122, %parallel_loop3A_119 : vector<16xf32>
      %parallel_loop3A_124 = arith.index_cast %parallel_loop3A_106 : i32 to index
      %parallel_loop3A_125 = arith.constant 0 : index
      %parallel_loop3A_126 = tpu.vector_load %arg12[%parallel_loop3A_124, %parallel_loop3A_125] {strides = array<i32>} : memref<128x64xf32, #tpu.memory_space<vmem>>, vector<16xf32>,
      tpu.vector_store %arg12[%parallel_loop3A_124, %parallel_loop3A_125], %parallel_loop3A_123 {strides = array<i32>} : memref<128x64xf32, #tpu.memory_space<vmem>>, vector<16xf32>,
      %parallel_loop3A_127 = arith.constant 16 : i32
      %parallel_loop3A_128 = vector.broadcast %parallel_loop3A_127 : i32 to vector<16xi32>
      %parallel_loop3A_129 = arith.addi %iota3A, %parallel_loop3A_128 : vector<16xi32>
      %parallel_loop3A_130 = arith.addi %parallel_loop3A_114, %parallel_loop3A_129 : vector<16xi32>
      %parallel_loop3A_131 = tpu.vector_load_idx %arg9[%parallel_loop3A_130] : memref<12800xf32, #tpu.memory_space<vmem>>[vector<16xi32>], vector<16xf32>,
      %parallel_loop3A_132 = arith.index_cast %parallel_loop3A_106 : i32 to index
      %parallel_loop3A_133 = arith.constant 16 : index
      %parallel_loop3A_134 = tpu.vector_load %arg12[%parallel_loop3A_132, %parallel_loop3A_133] {strides = array<i32>} : memref<128x64xf32, #tpu.memory_space<vmem>>, vector<16xf32>,
      %parallel_loop3A_135 = arith.addf %parallel_loop3A_134, %parallel_loop3A_131 : vector<16xf32>
      %parallel_loop3A_136 = arith.index_cast %parallel_loop3A_106 : i32 to index
      %parallel_loop3A_137 = arith.constant 16 : index
      %parallel_loop3A_138 = tpu.vector_load %arg12[%parallel_loop3A_136, %parallel_loop3A_137] {strides = array<i32>} : memref<128x64xf32, #tpu.memory_space<vmem>>, vector<16xf32>,
      tpu.vector_store %arg12[%parallel_loop3A_136, %parallel_loop3A_137], %parallel_loop3A_135 {strides = array<i32>} : memref<128x64xf32, #tpu.memory_space<vmem>>, vector<16xf32>,
      %parallel_loop3A_139 = arith.constant 32 : i32
      %parallel_loop3A_140 = vector.broadcast %parallel_loop3A_139 : i32 to vector<16xi32>
      %parallel_loop3A_141 = arith.addi %iota3A, %parallel_loop3A_140 : vector<16xi32>
      %parallel_loop3A_142 = arith.addi %parallel_loop3A_114, %parallel_loop3A_141 : vector<16xi32>
      %parallel_loop3A_143 = tpu.vector_load_idx %arg9[%parallel_loop3A_142] : memref<12800xf32, #tpu.memory_space<vmem>>[vector<16xi32>], vector<16xf32>,
      %parallel_loop3A_144 = arith.index_cast %parallel_loop3A_106 : i32 to index
      %parallel_loop3A_145 = arith.constant 32 : index
      %parallel_loop3A_146 = tpu.vector_load %arg12[%parallel_loop3A_144, %parallel_loop3A_145] {strides = array<i32>} : memref<128x64xf32, #tpu.memory_space<vmem>>, vector<16xf32>,
      %parallel_loop3A_147 = arith.addf %parallel_loop3A_146, %parallel_loop3A_143 : vector<16xf32>
      %parallel_loop3A_148 = arith.index_cast %parallel_loop3A_106 : i32 to index
      %parallel_loop3A_149 = arith.constant 32 : index
      %parallel_loop3A_150 = tpu.vector_load %arg12[%parallel_loop3A_148, %parallel_loop3A_149] {strides = array<i32>} : memref<128x64xf32, #tpu.memory_space<vmem>>, vector<16xf32>,
      tpu.vector_store %arg12[%parallel_loop3A_148, %parallel_loop3A_149], %parallel_loop3A_147 {strides = array<i32>} : memref<128x64xf32, #tpu.memory_space<vmem>>, vector<16xf32>,
      %parallel_loop3A_151 = arith.constant 48 : i32
      %parallel_loop3A_152 = vector.broadcast %parallel_loop3A_151 : i32 to vector<16xi32>
      %parallel_loop3A_153 = arith.addi %iota3A, %parallel_loop3A_152 : vector<16xi32>
      %parallel_loop3A_154 = arith.addi %parallel_loop3A_114, %parallel_loop3A_153 : vector<16xi32>
      %parallel_loop3A_155 = tpu.vector_load_idx %arg9[%parallel_loop3A_154] : memref<12800xf32, #tpu.memory_space<vmem>>[vector<16xi32>], vector<16xf32>,
      %parallel_loop3A_156 = arith.index_cast %parallel_loop3A_106 : i32 to index
      %parallel_loop3A_157 = arith.constant 48 : index
      %parallel_loop3A_158 = tpu.vector_load %arg12[%parallel_loop3A_156, %parallel_loop3A_157] {strides = array<i32>} : memref<128x64xf32, #tpu.memory_space<vmem>>, vector<16xf32>,
      %parallel_loop3A_159 = arith.addf %parallel_loop3A_158, %parallel_loop3A_155 : vector<16xf32>
      %parallel_loop3A_160 = arith.index_cast %parallel_loop3A_106 : i32 to index
      %parallel_loop3A_161 = arith.constant 48 : index
      %parallel_loop3A_162 = tpu.vector_load %arg12[%parallel_loop3A_160, %parallel_loop3A_161] {strides = array<i32>} : memref<128x64xf32, #tpu.memory_space<vmem>>, vector<16xf32>,
      tpu.vector_store %arg12[%parallel_loop3A_160, %parallel_loop3A_161], %parallel_loop3A_159 {strides = array<i32>} : memref<128x64xf32, #tpu.memory_space<vmem>>, vector<16xf32>,
    } {sc.loop_unroll_factor = 2 : i64, sc.parallel_access}
    %add3A_68 = arith.constant 25344 : i32
    %add3A_69 = arith.addi %mul3A_2, %add3A_68 : i32
    %dma_start3A_70 = arith.constant 0 : i32
    %dma_start3A_71 = tpu.memref_slice %arg6[%add3A_69, %dma_start3A_70] : memref<819200x64xf32, #tpu.memory_space<hbm>> -> memref<128x64xf32, #tpu.memory_space<hbm>>
    %dma_start3A_72 = arith.constant 0 : i32
    %dma_start3A_73 = tpu.memref_slice %arg6[%add3A_69, %dma_start3A_72] : memref<819200x64xf32, #tpu.memory_space<hbm>> -> memref<128x64xf32, #tpu.memory_space<hbm>>
    tpu.enqueue_dma source(%arg12 : memref<128x64xf32, #tpu.memory_space<vmem>>) target(%dma_start3A_73 : memref<128x64xf32, #tpu.memory_space<hbm>>) target_semaphore(%arg20 : memref<!tpu.dma_semaphore, #tpu.memory_space<semaphore_mem>>)
    %add3A_74 = arith.constant 25216 : i32
    %add3A_75 = arith.addi %mul3A_2, %add3A_74 : i32
    %dma_wait3A_76 = arith.constant 0 : i32
    %dma_wait3A_77 = tpu.memref_slice %arg6[%add3A_75, %dma_wait3A_76] : memref<819200x64xf32, #tpu.memory_space<hbm>> -> memref<128x64xf32, #tpu.memory_space<hbm>>
    %dma_wait3A_78 = arith.constant 0 : i32
    %dma_wait3A_79 = tpu.memref_slice %arg6[%add3A_75, %dma_wait3A_78] : memref<819200x64xf32, #tpu.memory_space<hbm>> -> memref<128x64xf32, #tpu.memory_space<hbm>>
    tpu.wait_dma2 semaphore(%arg19 : memref<!tpu.dma_semaphore, #tpu.memory_space<semaphore_mem>>) src(%arg11 : memref<128x64xf32, #tpu.memory_space<vmem>>) dst(%dma_wait3A_79 : memref<128x64xf32, #tpu.memory_space<hbm>>)
    %dma_wait3A_80 = arith.constant 25472 : i32
    %dma_wait3A_81 = tpu.memref_slice %arg7[%dma_wait3A_80] : memref<25600xi32, #tpu.memory_space<vmem>> -> memref<128xi32, #tpu.memory_space<vmem>>
    %dma_wait3A_82 = arith.constant 0 : i32
    %dma_wait3A_83 = arith.constant 0 : i32
    %dma_wait3A_84 = tpu.memref_slice %arg4[%dma_wait3A_82, %dma_wait3A_83] : memref<1000000x64xf32, #tpu.memory_space<hbm>> -> memref<1000000x64xf32, #tpu.memory_space<hbm>>
    tpu.wait_indirect_dma semaphore(%arg17 : memref<!tpu.dma_semaphore, #tpu.memory_space<semaphore_mem>>) src(%dma_wait3A_84 : memref<1000000x64xf32, #tpu.memory_space<hbm>>) dst(%arg13 : memref<128x64xf32, #tpu.memory_space<vmem>>)
    %parallel_loop3A_85 = arith.constant 0 : i32
    %parallel_loop3A_86 = arith.constant 128 : i32
    %parallel_loop3A_87 = arith.constant 1 : i32
    scf.for %parallel_loop3A_106 = %parallel_loop3A_85 to %parallel_loop3A_86 step %parallel_loop3A_87  : i32 {
      %parallel_loop3A_107 = arith.constant 25472 : i32
      %parallel_loop3A_108 = arith.addi %parallel_loop3A_107, %parallel_loop3A_106 : i32
      %parallel_loop3A_109 = vector.broadcast %parallel_loop3A_108 : i32 to vector<16xi32>
      %parallel_loop3A_110 = arith.addi %broadcast_in_dim3A_3, %parallel_loop3A_109 : vector<16xi32>
      %parallel_loop3A_111 = tpu.vector_load_idx %arg8[%parallel_loop3A_110] : memref<25600xi32, #tpu.memory_space<vmem>>[vector<16xi32>], vector<16xi32>,
      %parallel_loop3A_112 = arith.constant 64 : i32
      %parallel_loop3A_113 = vector.broadcast %parallel_loop3A_112 : i32 to vector<16xi32>
      %parallel_loop3A_114 = arith.muli %parallel_loop3A_111, %parallel_loop3A_113 : vector<16xi32>
      %parallel_loop3A_115 = arith.constant 0 : i32
      %parallel_loop3A_116 = vector.broadcast %parallel_loop3A_115 : i32 to vector<16xi32>
      %parallel_loop3A_117 = arith.addi %iota3A, %parallel_loop3A_116 : vector<16xi32>
      %parallel_loop3A_118 = arith.addi %parallel_loop3A_114, %parallel_loop3A_117 : vector<16xi32>
      %parallel_loop3A_119 = tpu.vector_load_idx %arg9[%parallel_loop3A_118] : memref<12800xf32, #tpu.memory_space<vmem>>[vector<16xi32>], vector<16xf32>,
      %parallel_loop3A_120 = arith.index_cast %parallel_loop3A_106 : i32 to index
      %parallel_loop3A_121 = arith.constant 0 : index
      %parallel_loop3A_122 = tpu.vector_load %arg13[%parallel_loop3A_120, %parallel_loop3A_121] {strides = array<i32>} : memref<128x64xf32, #tpu.memory_space<vmem>>, vector<16xf32>,
      %parallel_loop3A_123 = arith.addf %parallel_loop3A_122, %parallel_loop3A_119 : vector<16xf32>
      %parallel_loop3A_124 = arith.index_cast %parallel_loop3A_106 : i32 to index
      %parallel_loop3A_125 = arith.constant 0 : index
      %parallel_loop3A_126 = tpu.vector_load %arg13[%parallel_loop3A_124, %parallel_loop3A_125] {strides = array<i32>} : memref<128x64xf32, #tpu.memory_space<vmem>>, vector<16xf32>,
      tpu.vector_store %arg13[%parallel_loop3A_124, %parallel_loop3A_125], %parallel_loop3A_123 {strides = array<i32>} : memref<128x64xf32, #tpu.memory_space<vmem>>, vector<16xf32>,
      %parallel_loop3A_127 = arith.constant 16 : i32
      %parallel_loop3A_128 = vector.broadcast %parallel_loop3A_127 : i32 to vector<16xi32>
      %parallel_loop3A_129 = arith.addi %iota3A, %parallel_loop3A_128 : vector<16xi32>
      %parallel_loop3A_130 = arith.addi %parallel_loop3A_114, %parallel_loop3A_129 : vector<16xi32>
      %parallel_loop3A_131 = tpu.vector_load_idx %arg9[%parallel_loop3A_130] : memref<12800xf32, #tpu.memory_space<vmem>>[vector<16xi32>], vector<16xf32>,
      %parallel_loop3A_132 = arith.index_cast %parallel_loop3A_106 : i32 to index
      %parallel_loop3A_133 = arith.constant 16 : index
      %parallel_loop3A_134 = tpu.vector_load %arg13[%parallel_loop3A_132, %parallel_loop3A_133] {strides = array<i32>} : memref<128x64xf32, #tpu.memory_space<vmem>>, vector<16xf32>,
      %parallel_loop3A_135 = arith.addf %parallel_loop3A_134, %parallel_loop3A_131 : vector<16xf32>
      %parallel_loop3A_136 = arith.index_cast %parallel_loop3A_106 : i32 to index
      %parallel_loop3A_137 = arith.constant 16 : index
      %parallel_loop3A_138 = tpu.vector_load %arg13[%parallel_loop3A_136, %parallel_loop3A_137] {strides = array<i32>} : memref<128x64xf32, #tpu.memory_space<vmem>>, vector<16xf32>,
      tpu.vector_store %arg13[%parallel_loop3A_136, %parallel_loop3A_137], %parallel_loop3A_135 {strides = array<i32>} : memref<128x64xf32, #tpu.memory_space<vmem>>, vector<16xf32>,
      %parallel_loop3A_139 = arith.constant 32 : i32
      %parallel_loop3A_140 = vector.broadcast %parallel_loop3A_139 : i32 to vector<16xi32>
      %parallel_loop3A_141 = arith.addi %iota3A, %parallel_loop3A_140 : vector<16xi32>
      %parallel_loop3A_142 = arith.addi %parallel_loop3A_114, %parallel_loop3A_141 : vector<16xi32>
      %parallel_loop3A_143 = tpu.vector_load_idx %arg9[%parallel_loop3A_142] : memref<12800xf32, #tpu.memory_space<vmem>>[vector<16xi32>], vector<16xf32>,
      %parallel_loop3A_144 = arith.index_cast %parallel_loop3A_106 : i32 to index
      %parallel_loop3A_145 = arith.constant 32 : index
      %parallel_loop3A_146 = tpu.vector_load %arg13[%parallel_loop3A_144, %parallel_loop3A_145] {strides = array<i32>} : memref<128x64xf32, #tpu.memory_space<vmem>>, vector<16xf32>,
      %parallel_loop3A_147 = arith.addf %parallel_loop3A_146, %parallel_loop3A_143 : vector<16xf32>
      %parallel_loop3A_148 = arith.index_cast %parallel_loop3A_106 : i32 to index
      %parallel_loop3A_149 = arith.constant 32 : index
      %parallel_loop3A_150 = tpu.vector_load %arg13[%parallel_loop3A_148, %parallel_loop3A_149] {strides = array<i32>} : memref<128x64xf32, #tpu.memory_space<vmem>>, vector<16xf32>,
      tpu.vector_store %arg13[%parallel_loop3A_148, %parallel_loop3A_149], %parallel_loop3A_147 {strides = array<i32>} : memref<128x64xf32, #tpu.memory_space<vmem>>, vector<16xf32>,
      %parallel_loop3A_151 = arith.constant 48 : i32
      %parallel_loop3A_152 = vector.broadcast %parallel_loop3A_151 : i32 to vector<16xi32>
      %parallel_loop3A_153 = arith.addi %iota3A, %parallel_loop3A_152 : vector<16xi32>
      %parallel_loop3A_154 = arith.addi %parallel_loop3A_114, %parallel_loop3A_153 : vector<16xi32>
      %parallel_loop3A_155 = tpu.vector_load_idx %arg9[%parallel_loop3A_154] : memref<12800xf32, #tpu.memory_space<vmem>>[vector<16xi32>], vector<16xf32>,
      %parallel_loop3A_156 = arith.index_cast %parallel_loop3A_106 : i32 to index
      %parallel_loop3A_157 = arith.constant 48 : index
      %parallel_loop3A_158 = tpu.vector_load %arg13[%parallel_loop3A_156, %parallel_loop3A_157] {strides = array<i32>} : memref<128x64xf32, #tpu.memory_space<vmem>>, vector<16xf32>,
      %parallel_loop3A_159 = arith.addf %parallel_loop3A_158, %parallel_loop3A_155 : vector<16xf32>
      %parallel_loop3A_160 = arith.index_cast %parallel_loop3A_106 : i32 to index
      %parallel_loop3A_161 = arith.constant 48 : index
      %parallel_loop3A_162 = tpu.vector_load %arg13[%parallel_loop3A_160, %parallel_loop3A_161] {strides = array<i32>} : memref<128x64xf32, #tpu.memory_space<vmem>>, vector<16xf32>,
      tpu.vector_store %arg13[%parallel_loop3A_160, %parallel_loop3A_161], %parallel_loop3A_159 {strides = array<i32>} : memref<128x64xf32, #tpu.memory_space<vmem>>, vector<16xf32>,
    } {sc.loop_unroll_factor = 2 : i64, sc.parallel_access}
    %add3A_88 = arith.constant 25472 : i32
    %add3A_89 = arith.addi %mul3A_2, %add3A_88 : i32
    %dma_start3A_90 = arith.constant 0 : i32
    %dma_start3A_91 = tpu.memref_slice %arg6[%add3A_89, %dma_start3A_90] : memref<819200x64xf32, #tpu.memory_space<hbm>> -> memref<128x64xf32, #tpu.memory_space<hbm>>
    %dma_start3A_92 = arith.constant 0 : i32
    %dma_start3A_93 = tpu.memref_slice %arg6[%add3A_89, %dma_start3A_92] : memref<819200x64xf32, #tpu.memory_space<hbm>> -> memref<128x64xf32, #tpu.memory_space<hbm>>
    tpu.enqueue_dma source(%arg13 : memref<128x64xf32, #tpu.memory_space<vmem>>) target(%dma_start3A_93 : memref<128x64xf32, #tpu.memory_space<hbm>>) target_semaphore(%arg21 : memref<!tpu.dma_semaphore, #tpu.memory_space<semaphore_mem>>)
    %add3A_94 = arith.constant 25344 : i32
    %add3A_95 = arith.addi %mul3A_2, %add3A_94 : i32
    %dma_wait3A_96 = arith.constant 0 : i32
    %dma_wait3A_97 = tpu.memref_slice %arg6[%add3A_95, %dma_wait3A_96] : memref<819200x64xf32, #tpu.memory_space<hbm>> -> memref<128x64xf32, #tpu.memory_space<hbm>>
    %dma_wait3A_98 = arith.constant 0 : i32
    %dma_wait3A_99 = tpu.memref_slice %arg6[%add3A_95, %dma_wait3A_98] : memref<819200x64xf32, #tpu.memory_space<hbm>> -> memref<128x64xf32, #tpu.memory_space<hbm>>
    tpu.wait_dma2 semaphore(%arg20 : memref<!tpu.dma_semaphore, #tpu.memory_space<semaphore_mem>>) src(%arg12 : memref<128x64xf32, #tpu.memory_space<vmem>>) dst(%dma_wait3A_99 : memref<128x64xf32, #tpu.memory_space<hbm>>)
    %add3A_100 = arith.constant 25472 : i32
    %add3A_101 = arith.addi %mul3A_2, %add3A_100 : i32
    %dma_wait3A_102 = arith.constant 0 : i32
    %dma_wait3A_103 = tpu.memref_slice %arg6[%add3A_101, %dma_wait3A_102] : memref<819200x64xf32, #tpu.memory_space<hbm>> -> memref<128x64xf32, #tpu.memory_space<hbm>>
    %dma_wait3A_104 = arith.constant 0 : i32
    %dma_wait3A_105 = tpu.memref_slice %arg6[%add3A_101, %dma_wait3A_104] : memref<819200x64xf32, #tpu.memory_space<hbm>> -> memref<128x64xf32, #tpu.memory_space<hbm>>
    tpu.wait_dma2 semaphore(%arg21 : memref<!tpu.dma_semaphore, #tpu.memory_space<semaphore_mem>>) src(%arg13 : memref<128x64xf32, #tpu.memory_space<vmem>>) dst(%dma_wait3A_105 : memref<128x64xf32, #tpu.memory_space<hbm>>)
    return
  }
}

</mosaic_0001>

<sc_bundles>
// kernel: kernel.3.cloned.1.call-start
scs
__scs_entry_jumppad:
0x0: {  	(pc) =	sbr.rel $0x88, $3  }
0x1: {  	(tag) =	ssettag $0x0;
	lr =	simm.s32 $0x1  }
0x2: {  	[smem:$0x3F9D] =	sst lr;
	_ =	strace $0xD0000000  }
0x3: {  	_ = 	snop  }
0x4: {  	_ = 	snop  }
0x5: {  	_ = 	snop  }
0x6: {  	_ = 	snop  }
0x7: {  	_ = 	snop  }
__scs_overlays_trampoline_lowered:
0x8: {  	[smem:$0x3FAC] =	sst s0  }
0x9: {  	[smem:$0x3FAD] =	sst s1  }
0xa: {  	[smem:$0x3FAE] =	sst s2  }
0xb: {  	[smem:$0x3FAF] =	sst s3  }
0xc: {  	[smem:$0x3FB0] =	sst s4  }
0xd: {  	[smem:$0x3FB1] =	sst s5  }
0xe: {  	[smem:$0x3FB2] =	sst s6  }
0xf: {  	[smem:$0x3FB3] =	sst s7  }
0x10: {  	[smem:$0x3FB4] =	sst s8  }
0x11: {  	[smem:$0x3FB5] =	sst s9;
	s0 =	simm.s32 @!p0 $0x0  }
0x12: {  	s1 =	sld [smem:$0x3F9B];
	s0 =	simm.s32 @p0 $0x1  }
0x13: {  	[smem:$0x3FB6] =	sst s0;
	s0 =	simm.s32 @!p1 $0x0  }
0x14: {  	s2 =	sld [smem:$0x3F9A];
	s0 =	simm.s32 @p1 $0x1  }
0x15: {  	[smem:$0x3FB7] =	sst s0;
	s0 =	simm.s32 @!p2 $0x0  }
0x16: {  	s3 =	sld [smem:$0x3FDB];
	s0 =	simm.s32 @p2 $0x1  }
0x17: {  	s4 =	simm.s32 $0x1BF5;
	[smem:$0x3FB9] =	sst s0  }
0x18: {  	s0 =	sld [smem:$0x3F9C];
	_ =	swait.ge [sflag:s4], $0x0  }
0x19: {  	s7 =	sld [smem:$0x3F9D]  }
0x1a: {  	s8 =	sadd.s32 $0xFFFFE003, lr  }
0x1b: {  	s9 =	sadd.s32 $0xFFFFFEF7, lr;
	s5 =	simm.s32 $0xFFFFFFFF;
	p2 =	slt.u32 s8, $0xFFFFF086  }
0x1c: {  	p1 =	slt.u32 s9, $0xF7A;
	s5 =	simm.s32 @!p2 $0x0  }
0x1d: {  	s5 =	simm.s32 @p1 $0x1;
	p0 =	seq.s32 s7, s2  }
0x1e: {  	s7 =	smul.u32 @!p0 $0xF7A, s2;
	p2 =	seq.s32 @!p0 s5, $0x0  }
0x1f: {  	s9 =	smul.u32 $0xF7A, s1;
	s8 =	simm.s32 @!p0 $0x1BF5;
	p2 =	por !p2, p0  }
0x20: {  	[sflag:s8] =	ssyncset.s32 @!p0 $0xFFFFF086;
	s6 =	sadd.s32 @!p0 s3, s7;
	s7 =	simm.s32 @!p0 $0x108  }
0x21: {  	s3 =	sadd.s32 s3, s9;
	s6 =	sadd.s32 @!p0 $0x88, s6;
	s7 =	simm.s32 @p2 $0x1082  }
0x22: {  	[simem:s7], [sflag:s8] =	dma.local @!p0 [hbm:s6], $0xF7A  }
0x23: {  	s9 =	sor.u32 $0xD0000000, s2;
	s6 =	simm.s32 $0x108;
	_ =	swait.ge @!p0 [sflag:s8], $0x0  }
0x24: {  	s3 =	sadd.s32 $0x88, s3;
	s6 =	simm.s32 @!p1 $0x1082;
	[sflag:s4] =	ssyncset.s32 $0xFFFFF086  }
0x25: {  	[simem:s6], [sflag:s4] =	dma.local [hbm:s3], $0xF7A  }
0x26: {  	[smem:$0x3F9D] =	sst s1;
	(tag) =	ssettag s2;
	_ =	strace s9  }
0x27: {  	s1 =	sld [smem:$0x3FAD]  }
0x28: {  	s2 =	sld [smem:$0x3FAE]  }
0x29: {  	s4 =	sld [smem:$0x3FB0]  }
0x2a: {  	p0 =	seq.s32 s5, $0x0;
	s5 =	sld [smem:$0x3FB1]  }
0x2b: {  	s6 =	sld [smem:$0x3FB2]  }
0x2c: {  	s7 =	sld [smem:$0x3FB3]  }
0x2d: {  	s3 =	simm.s32 $0x108;
	s8 =	sld [smem:$0x3FB4]  }
0x2e: {  	s3 =	simm.s32 @!p0 $0x1082;
	s9 =	sld [smem:$0x3FB5]  }
0x2f: {  	lr =	sadd.s32 s0, s3;
	s0 =	sld [smem:$0x3FAC]  }
0x30: {  	s3 =	sld [smem:$0x3FAF]  }
0x31: {  	[smem:$0x3FB8] =	sst s10  }
0x32: {  	s10 =	sld [smem:$0x3FB6];
	_ =	sdelay $0x3  }
0x33: {  	p0 =	seq.s32 s10, $0x1;
	s10 =	sld [smem:$0x3FB8];
	_ =	sdelay $0x3  }
0x34: {  	[smem:$0x3FB8] =	sst s10  }
0x35: {  	s10 =	sld [smem:$0x3FB7];
	_ =	sdelay $0x3  }
0x36: {  	p1 =	seq.s32 s10, $0x1;
	s10 =	sld [smem:$0x3FB8];
	_ =	sdelay $0x3  }
0x37: {  	[smem:$0x3FB8] =	sst s10  }
0x38: {  	s10 =	sld [smem:$0x3FB9]  }
0x39: {  	_ = 	snop;
	(pc) =	sbr.ind lr, $3  }
0x3a: {  	_ = 	snop  }
0x3b: {  	_ = 	snop  }
0x3c: {  	p2 =	seq.s32 s10, $0x1;
	s10 =	sld [smem:$0x3FB8]  }
0x3d: {  	_ =	shalt  }
0x3e: {  	_ =	shalt  }
0x3f: {  	_ =	shalt  }
0x40: {  	_ =	shalt  }
0x41: {  	_ =	shalt  }
0x42: {  	_ =	shalt  }
0x43: {  	_ =	shalt  }
0x44: {  	_ =	shalt  }
0x45: {  	_ =	shalt  }
0x46: {  	_ =	shalt  }
0x47: {  	_ =	shalt  }
0x48: {  	_ =	shalt  }
0x49: {  	_ =	shalt  }
0x4a: {  	_ =	shalt  }
0x4b: {  	_ =	shalt  }
0x4c: {  	_ =	shalt  }
0x4d: {  	_ =	shalt  }
0x4e: {  	_ =	shalt  }
0x4f: {  	_ =	shalt  }
0x50: {  	_ =	shalt  }
0x51: {  	_ =	shalt  }
0x52: {  	_ =	shalt  }
0x53: {  	_ =	shalt  }
0x54: {  	_ =	shalt  }
0x55: {  	_ =	shalt  }
0x56: {  	_ =	shalt  }
0x57: {  	_ =	shalt  }
0x58: {  	_ =	shalt  }
0x59: {  	_ =	shalt  }
0x5a: {  	_ =	shalt  }
0x5b: {  	_ =	shalt  }
0x5c: {  	_ =	shalt  }
0x5d: {  	_ =	shalt  }
0x5e: {  	_ =	shalt  }
0x5f: {  	_ =	shalt  }
0x60: {  	_ =	shalt  }
0x61: {  	_ =	shalt  }
0x62: {  	_ =	shalt  }
0x63: {  	_ =	shalt  }
0x64: {  	_ =	shalt  }
0x65: {  	_ =	shalt  }
0x66: {  	_ =	shalt  }
0x67: {  	_ =	shalt  }
0x68: {  	_ =	shalt  }
0x69: {  	_ =	shalt  }
0x6a: {  	_ =	shalt  }
0x6b: {  	_ =	shalt  }
0x6c: {  	_ =	shalt  }
0x6d: {  	_ =	shalt  }
0x6e: {  	_ =	shalt  }
0x6f: {  	_ =	shalt  }
0x70: {  	_ =	shalt  }
0x71: {  	_ =	shalt  }
0x72: {  	_ =	shalt  }
0x73: {  	_ =	shalt  }
0x74: {  	_ =	shalt  }
0x75: {  	_ =	shalt  }
0x76: {  	_ =	shalt  }
0x77: {  	_ =	shalt  }
0x78: {  	_ =	shalt  }
0x79: {  	_ =	shalt  }
0x7a: {  	_ =	shalt  }
0x7b: {  	_ =	shalt  }
0x7c: {  	_ =	shalt  }
0x7d: {  	_ =	shalt  }
0x7e: {  	_ =	shalt  }
0x7f: {  	_ =	shalt  }
0x80: {  	_ =	shalt  }
0x81: {  	_ =	shalt  }
0x82: {  	_ =	shalt  }
0x83: {  	_ =	shalt  }
0x84: {  	_ =	shalt  }
0x85: {  	_ =	shalt  }
0x86: {  	_ =	shalt  }
0x87: {  	_ =	shalt  }
.Lfunc_end0:
.L_simem_size_0:
called_computation.1_lowered:
.L_overlay_start_0:
0x88: {  	s2 =	sld [smem:$0x3FD9]  }
0x89: {  	s3 =	sld [smem:$0x3FFE];
	_ =	sdelay $0x1  }
0x8a: {  	s1 =	srdreg.scid  }
0x8b: {  	s0 =	sand.u32 $0x1, s1  }
0x8c: {  	s17 =	sshll.u32 s0, $0xA;
	s2 =	sadd.s32 s3, s2  }
0x8d: {  	s2 =	sadd.s32 s2, s17  }
0x8e: {  	[smem:$0x3FC4] =	sst s2  }
0x8f: {  	_ = 	snop  }
0x90: {  	s2 =	sld [smem:$0x3FD0];
	(tm) =	ssettm $0x1  }
0x91: {  	s18 =	sld [smem:$0x3FFB];
	_ =	sdelay $0x3  }
0x92: {  	_ =	strace s18  }
0x93: {  	s3 =	sld [smem:$0x3FFC];
	_ =	sdelay $0x3  }
0x94: {  	_ =	strace s3  }
0x95: {  	s3 =	sld [smem:$0x3FFD];
	_ =	sdelay $0x3  }
0x96: {  	_ =	strace s3  }
0x97: {  	_ =	strace $0x8FFFFFFF  }
0x98: {  	s19 =	sld [smem:$0x3FDB];
	_ =	sdelay $0x1  }
0x99: {  	s4 =	simm.s32 $_scs_section_size  }
0x9a: {  	s5 =	simm.s32 $_size__tile_overlayer_lowered;
	s6 =	simm.s32 $_tile_overlayer_lowered  }
0x9b: {  	s22 =	simm.s32 $0x1BFF;
	s21 =	sshll.u32 s6, $0x1;
	s3 =	sadd.s32 s4, s19  }
0x9c: {  	s7 =	simm.s32 $0x0;
	s20 =	sshll.u32 s5, $0x1;
	s5 =	sadd.s32 s21, s3  }
0x9d: {  	[timem:s7], [sflag:s22] =	dma.local [hbm:s5], s20  }
0x9e: {  	_ =	swait.ge [sflag:s22], s20  }
0x9f: {  	s4 =	ssub.s32 $0x0, s20;
	[sflag:s22] =	ssyncset.done $0x0  }
0xa0: {  	[sflag:s22] =	ssyncadd.s32 s4;
	_ =	sdelay $0x1  }
0xa1: {  	s23 =	simm.s32 $0x1B8B  }
0xa2: {  	_ =	swait.ge [sflag:s23], $0x1  }
0xa3: {  	[sflag:s23] =	ssyncset.done $0x0  }
0xa4: {  	s25 =	simm.s32 $0x1B8E;
	s24 =	sld [smem:$0x3FFE];
	[sflag:s23] =	ssyncadd.s32 $0xFFFFFFFF  }
0xa5: {  	s26 =	simm.s32 $execute0_lowered;
	[smem:$0x3FD2] =	sst s25  }
0xa6: {  	s5 =	sshll.u32 s26, $0x1;
	_ =	strace $0x80000046;
	[dreg:$0x1] =	wrdreg $0xFFFFFFFF  }
0xa7: {  	s28 =	simm.s32 $_size_execute0_lowered;
	s3 =	sadd.s32 s3, s5;
	[dreg:$0x0] =	wrdreg $0x0  }
0xa8: {  	s5 =	sshll.u32 s28, $0x1;
	[dreg:$0x2] =	wrdreg s3  }
0xa9: {  	[dreg:$0x3] =	wrdreg s5  }
0xaa: {  	[dreg:$0x4] =	wrdreg $0xC0  }
0xab: {  	_ =	task [dreg:s7], $0x5FFFF  }
0xac: {  	[dreg:$0x1] =	wrdreg $0xFFFFFFFF  }
0xad: {  	[dreg:$0x0] =	wrdreg $0x60  }
0xae: {  	[dreg:$0x2] =	wrdreg s24  }
0xaf: {  	[dreg:$0x3] =	wrdreg s2  }
0xb0: {  	[dreg:$0x4] =	wrdreg $0x9  }
0xb1: {  	_ =	task.clear_ibuf [dreg:s7], $0x5FFFF;
	_ =	strace $0x90000046  }
0xb2: {  	s29 =	simm.s32 $0x9;
	_ =	strace $0x80000048  }
0xb3: {  	_ =	swait.ge [sflag:s29], $0x1  }
0xb4: {  	[sflag:s29] =	ssyncadd.s32 $0xFFFFFFFF  }
0xb5: {  	_ =	strace $0x90000048  }
0xb6: {  	_ =	sfence  }
0xb7: {  	s30 =	sld [smem:$0x0];
	_ =	sdelay $0x2  }
0xb8: {  	s31 =	sshll.u32 s1, $0xD;
	s1 =	sshrl.u32 s1, $0x2  }
0xb9: {  	s3 =	sand.u32 $0x4000, s31;
	s1 =	sadd.s32 s1, s30  }
0xba: {  	s0 =	sor.u32 s3, s0;
	s1 =	sshll.u32 s1, $0x11  }
0xbb: {  	s0 =	sor.u32 s1, s0  }
0xbc: {  	s0 =	sadd.s32 $0x8F2B, s0  }
0xbd: {  	[sflag:s0] =	ssyncadd.remote.s32 $0x1  }
0xbe: {  	_ =	sfence.sel $0xFFFF  }
0xbf: {  	[dreg:$0x0] =	wrdreg $0xFFFFFFFF;
	(pc) =	sbr.abs _section_cstart, $3  }
0xc0: {  	[dreg:$0x1] =	wrdreg $0xFFFFFFFF  }
0xc1: {  	_ =	task.clear_ibuf [dreg:s7], $0x2FFFF;
	_ =	strace $0x9FFFFFFF  }
0xc2: {  	(tm) =	ssettm $0x7FFFFFFF  }
0xc3: {  	_ =	shalt  }
tec
execute0_lowered:
.L_overlay_start_1:
0x0: {  	(tag) =	ssettag $0x1  }
0x1: {  	s0 =	srdreg.scid;
	s2 =	stileid.u32  }
0x2: {  	s1 =	rddreg [dreg:$0x0];
	s16 =	simm.s32 $0x6400;
	s17 =	simm.s32 $0xC800  }
0x3: {  	s18 =	simm.s32 $0x80;
	s15 =	simm.s32 $0xFA00;
	s20 =	simm.s32 $0x11A00  }
0x4: {  	s22 =	simm.s32 $0x13A00;
	s23 =	simm.s32 $0x1;
	s28 =	simm.s32 $0x5  }
0x5: {  	s29 =	simm.s32 $0x3;
	s0 =	sand.u32 $0x1, s0;
	s3 =	sshll.u32 s2, $0x1  }
0x6: {  	s30 =	simm.s32 $0x6;
	s31 =	simm.s32 $0x4;
	s7 =	sor.u32 s0, s3  }
0x7: {  	s2 =	rddreg [dreg:$0x1];
	s0 =	ssub.s32 $0x2, s0;
	s4 =	smul.u32 $0x6400, s7  }
0x8: {  	s6 =	sadd.s32 $0xF43200, s1;
	s3 =	simm.s32 $0x0;
	s9 =	sshrl.u32 s0, $0x1  }
0x9: {  	[smem:$0x7FF] =	sst s3;
	s0 =	ssub.s32 s0, s9;
	s5 =	sshrl.u32 s4, $0x3  }
0xa: {  	_ =	strace $0x80000047;
	s0 =	smax.u32 s0, $0x1;
	s8 =	sadd.s32 s5, s1  }
0xb: {  	s5 =	smul.u32 $0x190000, s7;
	s1 =	sadd.s32 $0x32E00, s1;
	[dreg:$0xa] =	wrdreg s0  }
0xc: {  	s7 =	smul.u32 $0x32000, s7;
	[dreg:$0x3] =	wrdreg s1;
	s25 =	sadd.s32 $0x19E00, s8  }
0xd: {  	s0 =	simm.s32 $0x8;
	s8 =	sadd.s32 $0xE00, s8;
	[dreg:$0x4] =	wrdreg s25  }
0xe: {  	s24 =	sshrl.u32 s5, $0x3;
	s7 =	sadd.s32 s2, s7;
	[dreg:$0x6] =	wrdreg s8  }
0xf: {  	s1 =	sadd.s32 s2, s24;
	[dreg:$0x5] =	wrdreg s7;
	s7 =	sadd.s32 $0x400, s7  }
0x10: {  	s25 =	simm.s32 $0x15A00;
	[dreg:$0x7] =	wrdreg s7;
	s26 =	sadd.s32 $0x31800, s1  }
0x11: {  	v0 =	vlaneseq.u32;
	s8 =	simm.s32 $0x0;
	s1 =	sadd.s32 $0x31C00, s1;
	[dreg:$0x8] =	wrdreg s26  }
0x12: {  	v1 =	vor.u32 $0x10, v0;
	v2 =	vor.u32 $0x20, v0;
	v3 =	vor.u32 $0x30, v0;
	[dreg:$0x9] =	wrdreg s1;
	s26 =	simm.s32 $0x2;
	s1 =	simm.s32 $0x7  }
.LBB2_1:
0x13: {  	[dreg:$0xb] =	wrdreg s8  }
0x14: {  	s7 =	rddreg [dreg:$0x4];
	s24 =	simm.s32 $0x9  }
0x15: {  	[tilespmem:s3], [sflag:$0x9] =	stream.linear.gather [hbm4b:s7+s3], $0x6400, $0x38;
	[tilespmem:$0x17A00] =	vst v63  }
0x16: {  	_ =	swait.ge [sflag:s24], $0x6400  }
0x17: {  	[sflag:s24] =	ssyncset.done $0x0  }
0x18: {  	s9 =	rddreg [dreg:$0x6];
	[sflag:s24] =	ssyncadd.s32 $0xFFFF9C00  }
0x19: {  	[tilespmem:s16], [sflag:$0x9] =	stream.linear.gather [hbm4b:s9+s3], $0x6400, $0x38;
	[tilespmem:$0x17A00] =	vst v63  }
0x1a: {  	_ =	swait.ge [sflag:s24], $0x6400  }
0x1b: {  	[sflag:s24] =	ssyncset.done $0x0  }
0x1c: {  	s10 =	rddreg [dreg:$0x3];
	[sflag:s24] =	ssyncadd.s32 $0xFFFF9C00  }
0x1d: {  	[tilespmem:s17], [sflag:$0x9] =	stream.linear.gather [hbm4b:s10+s3], $0x3200, $0x38;
	[tilespmem:$0x17A00] =	vst v63  }
0x1e: {  	_ =	swait.ge [sflag:s24], $0x3200  }
0x1f: {  	[sflag:s24] =	ssyncset.done $0x0  }
0x20: {  	[sflag:s24] =	ssyncadd.s32 $0xFFFFCE00  }
0x21: {  	v4 =	vmov s3;
	[tilespmem:s15], [sflag:$0x1] =	stream.indirect.gather [hbm4b:s6+s18], $0x40, s3, s18, $0xb8;
	[tilespmem:$0x17A00] =	vst v63  }
0x22: {  	v4 =	vand.u32 $0xFFFFFFFE, v4  }
0x23: {  	v4 =	vbroadcast v4, $0x0;
	[tilespmem:s20], [sflag:$0x2] =	stream.indirect.gather [hbm4b:s6+s18], $0x40, s18, s18, $0xb8;
	[tilespmem:$0x17A00] =	vst v63  }
0x24: {  	s11 =	simm.s32 $0x100;
	s12 =	simm.s32 $0x1  }
0x25: {  	[tilespmem:s22], [sflag:$0x3] =	stream.indirect.gather [hbm4b:s6+s18], $0x40, s11, s18, $0xb8;
	[tilespmem:$0x17A00] =	vst v63  }
0x26: {  	v5 =	vmov s12;
	_ =	swait.ge [sflag:s23], $0x2000  }
0x27: {  	[sflag:s23] =	ssyncset.done $0x0  }
0x28: {  	[sflag:s23] =	ssyncadd.s32 $0xFFFFE000  }
0x29: {  	v4 =	vld.idx.msk [tilespmem:v4+s16+$0x0], $0xffff;
	_ =	sdelay $0x1  }
0x2a: {  	v5 =	vld.idx.msk [tilespmem:v5+s16+$0x0], $0xffff  }
0x2b: {  	s13 =	simm.s32 $0x3;
	s14 =	simm.s32 $0x2  }
0x2c: {  	v7 =	vmov s13;
	v8 =	vmov s14  }
0x2d: {  	v8 =	vand.u32 $0xFFFFFFFE, v8;
	v6 =	vshll.u32 v4, $0x6  }
0x2e: {  	v8 =	vbroadcast v8, $0x0;
	v4 =	vor.u32 v0, v6  }
0x2f: {  	s7 =	simm.s32 $0xFA40;
	v9 =	vshll.u32 v5, $0x6  }
0x30: {  	v10 =	vld [tilespmem:s7+$0xFFFFFFC0];
	v5 =	vor.u32 v0, v9  }
0x31: {  	v7 =	vld.idx.msk [tilespmem:v7+s16+$0x0], $0xffff  }
0x32: {  	v11 =	vld [tilespmem:s7+$0x0]  }
0x33: {  	v4 =	vld.idx.msk [tilespmem:v4+s17+$0x0], $0xffff  }
0x34: {  	v8 =	vld.idx.msk [tilespmem:v8+s16+$0x0], $0xffff  }
0x35: {  	v5 =	vld.idx.msk [tilespmem:v5+s17+$0x0], $0xffff  }
0x36: {  	v12 =	vor.u32 v1, v6;
	_ =	sdelay $0x1  }
0x37: {  	v14 =	vld [tilespmem:s7+$0x20];
	v13 =	vor.u32 v1, v9;
	v4 =	vadd.f32 v10, v4  }
0x38: {  	s8 =	simm.s32 $0xFAC0;
	v15 =	vld [tilespmem:s7+$0xFFFFFFD0];
	v8 =	vshll.u32 v8, $0x6  }
0x39: {  	v20 =	vld [tilespmem:s8+$0x0];
	v16 =	vor.u32 v0, v8;
	[tilespmem:s7+$0xFFFFFFC0] =	vst v4;
	v4 =	vadd.f32 v11, v5;
	v5 =	vshll.u32 v7, $0x6  }
0x3a: {  	v7 =	vld.idx.msk [tilespmem:v12+s17+$0x0], $0xffff;
	v12 =	vor.u32 v0, v5  }
0x3b: {  	v10 =	vld [tilespmem:s7+$0x10];
	[tilespmem:s7+$0x0] =	vst v4  }
0x3c: {  	v13 =	vld.idx.msk [tilespmem:v13+s17+$0x0], $0xffff  }
0x3d: {  	v17 =	vor.u32 v2, v6;
	v21 =	vor.u32 v3, v6;
	v6 =	vld [tilespmem:s8+$0x20]  }
0x3e: {  	s19 =	simm.s32 $0x5;
	s21 =	simm.s32 $0x4;
	v16 =	vld.idx.msk [tilespmem:v16+s17+$0x0], $0xffff  }
0x3f: {  	v11 =	vmov s19;
	v7 =	vadd.f32 v15, v7;
	v15 =	vmov s21;
	v18 =	vld.idx.msk [tilespmem:v12+s17+$0x0], $0xffff  }
0x40: {  	v19 =	vor.u32 v2, v9;
	v12 =	vand.u32 $0xFFFFFFFE, v15;
	v15 =	vld [tilespmem:s8+$0xFFFFFFC0]  }
0x41: {  	[tilespmem:s7+$0xFFFFFFD0] =	vst v7;
	v7 =	vbroadcast v12, $0x0;
	v10 =	vadd.f32 v10, v13;
	v13 =	vld [tilespmem:s7+$0xFFFFFFE0]  }
0x42: {  	v17 =	vld.idx.msk [tilespmem:v17+s17+$0x0], $0xffff  }
0x43: {  	v4 =	vld [tilespmem:s7+$0x30]  }
0x44: {  	v11 =	vld.idx.msk [tilespmem:v11+s16+$0x0], $0xffff;
	[tilespmem:s7+$0x10] =	vst v10;
	v10 =	vor.u32 v1, v8  }
0x45: {  	v19 =	vld.idx.msk [tilespmem:v19+s17+$0x0], $0xffff  }
0x46: {  	v12 =	vld [tilespmem:s8+$0x10];
	v15 =	vadd.f32 v15, v16  }
0x47: {  	s9 =	simm.s32 $0x7;
	v16 =	vor.u32 v1, v5;
	v22 =	vld.idx.msk [tilespmem:v7+s16+$0x0], $0xffff;
	v7 =	vadd.f32 v13, v17  }
0x48: {  	[tilespmem:s8+$0xFFFFFFC0] =	vst v15;
	v13 =	vld [tilespmem:s8+$0xFFFFFFD0];
	v15 =	vadd.f32 v20, v18;
	v18 =	vmov s9  }
0x49: {  	v17 =	vld.idx.msk [tilespmem:v10+s17+$0x0], $0xffff;
	[tilespmem:s7+$0xFFFFFFE0] =	vst v7  }
0x4a: {  	v10 =	vor.u32 v3, v9;
	v7 =	vshll.u32 v11, $0x6;
	v11 =	vadd.f32 v14, v19;
	v20 =	vld.idx.msk [tilespmem:v21+s17+$0x0], $0xffff  }
0x4b: {  	[tilespmem:s8+$0x0] =	vst v15;
	v15 =	vor.u32 v0, v7;
	v21 =	vld [tilespmem:s7+$0xFFFFFFF0]  }
0x4c: {  	v16 =	vld.idx.msk [tilespmem:v16+s17+$0x0], $0xffff;
	[tilespmem:s7+$0x20] =	vst v11;
	v11 =	vshll.u32 v22, $0x6  }
0x4d: {  	v14 =	vld.idx.msk [tilespmem:v18+s16+$0x0], $0xffff;
	v18 =	vor.u32 v0, v11  }
0x4e: {  	v9 =	vld [tilespmem:s8+$0x30];
	v19 =	vor.u32 v2, v8  }
0x4f: {  	s24 =	simm.s32 $0x6;
	v10 =	vld.idx.msk [tilespmem:v10+s17+$0x0], $0xffff;
	v22 =	vadd.f32 v13, v17  }
0x50: {  	s10 =	simm.s32 $0xFB40;
	v17 =	vmov s24;
	v15 =	vld.idx.msk [tilespmem:v15+s17+$0x0], $0xffff;
	v13 =	vadd.f32 v21, v20  }
0x51: {  	s9 =	simm.s32 $0x8;
	v20 =	vand.u32 $0xFFFFFFFE, v17;
	v17 =	vld [tilespmem:s10+$0xFFFFFFC0];
	[tilespmem:s8+$0xFFFFFFD0] =	vst v22  }
.LBB2_2:
0x52: {  	p0 =	slt.u32 s9, $0x7E;
	v20 =	vbroadcast v20, $0x0;
	v18 =	vld.idx.msk [tilespmem:v18+s17+$0x0], $0xffff;
	v12 =	vadd.f32 v12, v16;
	v16 =	vor.u32 v2, v5;
	[tilespmem:s7+$0xFFFFFFF0] =	vst v13  }
0x53: {  	v13 =	vld.idx.msk [tilespmem:v19+s17+$0x0], $0xffff  }
0x54: {  	v10 =	vadd.f32 v4, v10;
	v4 =	vmov v9;
	v19 =	vld [tilespmem:s8+$0xFFFFFFE0];
	[tilespmem:s8+$0x10] =	vst v12  }
0x55: {  	v9 =	vld [tilespmem:s10+$0x0]  }
0x56: {  	v21 =	vor.u32 v1, v11;
	v12 =	vld [tilespmem:s10+$0x10];
	[tilespmem:s7+$0x30] =	vst v10;
	s7 =	smov.u32 s8;
	s8 =	smov.u32 s10  }
0x57: {  	v10 =	vor.u32 v3, v8;
	v8 =	vmov v11;
	v16 =	vld.idx.msk [tilespmem:v16+s17+$0x0], $0xffff  }
0x58: {  	v17 =	vadd.f32 v17, v18;
	v11 =	vld.idx.msk [tilespmem:v20+s16+$0x0], $0xffff  }
0x59: {  	v18 =	vor.u32 v1, v7;
	v20 =	vld [tilespmem:s10+$0x20];
	v13 =	vadd.f32 v19, v13  }
0x5a: {  	[tilespmem:s10+$0xFFFFFFC0] =	vst v17;
	v17 =	vld [tilespmem:s10+$0xFFFFFFD0];
	v9 =	vadd.f32 v9, v15  }
0x5b: {  	s11 =	sadd.s32 $0x1, s9;
	v15 =	vld.idx.msk [tilespmem:v21+s17+$0x0], $0xffff;
	[tilespmem:s7+$0xFFFFFFE0] =	vst v13;
	v13 =	vor.u32 v3, v5;
	v5 =	vmov v7  }
0x5c: {  	v21 =	vmov s11;
	v7 =	vshll.u32 v14, $0x6;
	[tilespmem:s10+$0x0] =	vst v9;
	v22 =	vld.idx.msk [tilespmem:v10+s17+$0x0], $0xffff  }
0x5d: {  	v23 =	vor.u32 v0, v7;
	v10 =	vadd.f32 v6, v16;
	v24 =	vld [tilespmem:s7+$0xFFFFFFF0]  }
0x5e: {  	v11 =	vshll.u32 v11, $0x6;
	v16 =	vld.idx.msk [tilespmem:v18+s17+$0x0], $0xffff;
	v6 =	vmov v20  }
.Ltmp0:
0x5f: {  	v18 =	vor.u32 v0, v11;
	v9 =	vld [tilespmem:s10+$0x30];
	[tilespmem:s7+$0x20] =	vst v10;
	(pc) =	sbr.rel @p0 .LBB2_2-.Ltmp0, $4  }
0x60: {  	v19 =	vor.u32 v2, v8;
	v10 =	vld.idx.msk [tilespmem:v13+s17+$0x0], $0xffff  }
0x61: {  	v14 =	vld.idx.msk [tilespmem:v21+s16+$0x0], $0xffff;
	v21 =	vadd.f32 v17, v15  }
0x62: {  	s10 =	sadd.s32 $0x80, s10;
	v17 =	vmov s9;
	v15 =	vld.idx.msk [tilespmem:v23+s17+$0x0], $0xffff;
	v13 =	vadd.f32 v24, v22  }
0x63: {  	s9 =	sadd.s32 $0x2, s9;
	v20 =	vand.u32 $0xFFFFFFFE, v17;
	v17 =	vld [tilespmem:s10+$0xFFFFFFC0];
	[tilespmem:s8+$0xFFFFFFD0] =	vst v21  }
0x64: {  	v20 =	vbroadcast v20, $0x0;
	_ =	sdelay $0x5  }
0x65: {  	v20 =	vld.idx.msk [tilespmem:v20+s16+$0x0], $0xffff  }
0x66: {  	v18 =	vld.idx.msk [tilespmem:v18+s17+$0x0], $0xffff  }
0x67: {  	v19 =	vld.idx.msk [tilespmem:v19+s17+$0x0], $0xffff;
	v14 =	vshll.u32 v14, $0x6  }
0x68: {  	v12 =	vadd.f32 v12, v16;
	v16 =	vld [tilespmem:s8+$0xFFFFFFE0];
	v24 =	vor.u32 v0, v14  }
0x69: {  	v22 =	vld [tilespmem:s10+$0x0]  }
0x6a: {  	v25 =	vor.u32 v1, v11;
	v27 =	vld [tilespmem:s10+$0xFFFFFFD0];
	v20 =	vshll.u32 v20, $0x6  }
0x6b: {  	s9 =	sadd.s32 $0x80, s10;
	v57 =	vld [tilespmem:s10+$0x30];
	v23 =	vor.u32 v0, v20  }
0x6c: {  	v52 =	vld [tilespmem:s9+$0x0];
	v17 =	vadd.f32 v17, v18  }
0x6d: {  	v16 =	vadd.f32 v16, v19;
	v19 =	vld.idx.msk [tilespmem:v24+s17+$0x0], $0xffff  }
0x6e: {  	v26 =	vld [tilespmem:s9+$0xFFFFFFC0];
	[tilespmem:s10+$0xFFFFFFC0] =	vst v17  }
0x6f: {  	[tilespmem:s8+$0xFFFFFFE0] =	vst v16;
	v16 =	vld.idx.msk [tilespmem:v25+s17+$0x0], $0xffff  }
0x70: {  	v51 =	vor.u32 v1, v7;
	v17 =	vld.idx.msk [tilespmem:v23+s17+$0x0], $0xffff  }
0x71: {  	v60 =	vld [tilespmem:s10+$0xFFFFFFE0];
	v54 =	vor.u32 v1, v14;
	v15 =	vadd.f32 v22, v15  }
0x72: {  	v61 =	vld [tilespmem:s8+$0xFFFFFFF0];
	[tilespmem:s8+$0x10] =	vst v12;
	v19 =	vadd.f32 v52, v19  }
0x73: {  	v12 =	vld [tilespmem:s10+$0x10];
	[tilespmem:s10+$0x0] =	vst v15;
	v53 =	vor.u32 v1, v20  }
0x74: {  	v16 =	vadd.f32 v27, v16;
	[tilespmem:s9+$0x0] =	vst v19;
	v19 =	vld [tilespmem:s9+$0x10]  }
0x75: {  	v21 =	vor.u32 v2, v5;
	v15 =	vadd.f32 v26, v17;
	v17 =	vld.idx.msk [tilespmem:v51+s17+$0x0], $0xffff  }
0x76: {  	[tilespmem:s10+$0xFFFFFFD0] =	vst v16;
	v16 =	vld.idx.msk [tilespmem:v54+s17+$0x0], $0xffff  }
0x77: {  	[tilespmem:s9+$0xFFFFFFC0] =	vst v15;
	v15 =	vld [tilespmem:s9+$0xFFFFFFD0]  }
0x78: {  	v55 =	vor.u32 v2, v11;
	v56 =	vld.idx.msk [tilespmem:v53+s17+$0x0], $0xffff  }
0x79: {  	v62 =	vld [tilespmem:s9+$0xFFFFFFE0]  }
0x7a: {  	v58 =	vor.u32 v2, v7;
	v21 =	vld.idx.msk [tilespmem:v21+s17+$0x0], $0xffff;
	v12 =	vadd.f32 v12, v17  }
0x7b: {  	v4 =	vadd.f32 v4, v10;
	v10 =	vld [tilespmem:s9+$0xFFFFFFF0];
	v59 =	vor.u32 v2, v20  }
0x7c: {  	v18 =	vld [tilespmem:s10+$0x20];
	v16 =	vadd.f32 v19, v16;
	[tilespmem:s10+$0x10] =	vst v12;
	v12 =	vor.u32 v2, v14  }
0x7d: {  	v8 =	vor.u32 v3, v8;
	v17 =	vld.idx.msk [tilespmem:v55+s17+$0x0], $0xffff;
	v15 =	vadd.f32 v15, v56  }
0x7e: {  	v5 =	vor.u32 v3, v5;
	[tilespmem:s9+$0x10] =	vst v16;
	v16 =	vld [tilespmem:s9+$0x20]  }
0x7f: {  	v6 =	vadd.f32 v6, v21;
	[tilespmem:s9+$0xFFFFFFD0] =	vst v15;
	v15 =	vld.idx.msk [tilespmem:v58+s17+$0x0], $0xffff  }
0x80: {  	v11 =	vor.u32 v3, v11;
	v19 =	vld.idx.msk [tilespmem:v59+s17+$0x0], $0xffff  }
0x81: {  	[tilespmem:s8+$0x20] =	vst v6;
	v6 =	vor.u32 v3, v7;
	v7 =	vld.idx.msk [tilespmem:v12+s17+$0x0], $0xffff  }
0x82: {  	v8 =	vld.idx.msk [tilespmem:v8+s17+$0x0], $0xffff;
	v17 =	vadd.f32 v60, v17  }
0x83: {  	v5 =	vld.idx.msk [tilespmem:v5+s17+$0x0], $0xffff;
	v12 =	vor.u32 v3, v20  }
0x84: {  	v14 =	vor.u32 v3, v14;
	[tilespmem:s10+$0xFFFFFFE0] =	vst v17;
	v17 =	vld [tilespmem:s10+$0xFFFFFFF0];
	v15 =	vadd.f32 v18, v15  }
0x85: {  	v11 =	vld.idx.msk [tilespmem:v11+s17+$0x0], $0xffff;
	v18 =	vadd.f32 v62, v19  }
0x86: {  	v19 =	vld [tilespmem:s9+$0x30];
	[tilespmem:s10+$0x20] =	vst v15;
	v7 =	vadd.f32 v16, v7  }
0x87: {  	v6 =	vld.idx.msk [tilespmem:v6+s17+$0x0], $0xffff;
	[tilespmem:s9+$0xFFFFFFE0] =	vst v18  }
0x88: {  	v12 =	vld.idx.msk [tilespmem:v12+s17+$0x0], $0xffff;
	[tilespmem:s9+$0x20] =	vst v7  }
0x89: {  	[tilespmem:s7+$0x30] =	vst v4;
	v4 =	vadd.f32 v9, v5;
	v7 =	vadd.f32 v61, v8;
	v8 =	vld.idx.msk [tilespmem:v14+s17+$0x0], $0xffff  }
0x8a: {  	[tilespmem:s7+$0xFFFFFFF0] =	vst v13;
	v5 =	vadd.f32 v17, v11  }
0x8b: {  	[tilespmem:s8+$0x30] =	vst v4  }
0x8c: {  	[tilespmem:s10+$0xFFFFFFF0] =	vst v5;
	v4 =	vadd.f32 v57, v6  }
0x8d: {  	[tilespmem:s8+$0xFFFFFFF0] =	vst v7;
	v5 =	vadd.f32 v10, v12  }
0x8e: {  	[tilespmem:s10+$0x30] =	vst v4;
	v4 =	vadd.f32 v19, v8  }
0x8f: {  	s10 =	simm.s32 $0x80;
	[tilespmem:s9+$0xFFFFFFF0] =	vst v5  }
0x90: {  	[tilespmem:s9+$0x30] =	vst v4;
	v4 =	vmov s10  }
0x91: {  	s11 =	rddreg [dreg:$0x5];
	v4 =	vand.u32 $0xFFFFFFFE, v4  }
0x92: {  	[hbm4b:s11+s3] =	stream.linear.scatter [tilespmem:s15], [sflag:$0x5], $0x2000, $0x38;
	v4 =	vbroadcast v4, $0x0;
	[tilespmem:$0x17A00] =	vst v63  }
0x93: {  	s12 =	simm.s32 $0x180  }
0x94: {  	[tilespmem:s25], [sflag:$0x4] =	stream.indirect.gather [hbm4b:s6+s18], $0x40, s12, s18, $0xb8;
	[tilespmem:$0x17A00] =	vst v63  }
0x95: {  	s13 =	simm.s32 $0x81;
	_ =	swait.ge [sflag:s26], $0x2000  }
0x96: {  	v5 =	vmov s13;
	[sflag:s26] =	ssyncset.done $0x0  }
0x97: {  	[sflag:s26] =	ssyncadd.s32 $0xFFFFE000  }
0x98: {  	v4 =	vld.idx.msk [tilespmem:v4+s16+$0x0], $0xffff  }
0x99: {  	s19 =	simm.s32 $0x82  }
0x9a: {  	v8 =	vmov s19  }
0x9b: {  	v8 =	vand.u32 $0xFFFFFFFE, v8;
	v5 =	vld.idx.msk [tilespmem:v5+s16+$0x0], $0xffff  }
0x9c: {  	v8 =	vbroadcast v8, $0x0  }
0x9d: {  	v11 =	vshll.u32 v4, $0x6  }
0x9e: {  	s14 =	simm.s32 $0x83;
	v4 =	vor.u32 v0, v11  }
0x9f: {  	v6 =	vmov s14  }
0xa0: {  	s7 =	simm.s32 $0x11A40;
	v5 =	vshll.u32 v5, $0x6  }
0xa1: {  	v9 =	vld [tilespmem:s7+$0xFFFFFFC0];
	v7 =	vor.u32 v0, v5  }
0xa2: {  	v8 =	vld.idx.msk [tilespmem:v8+s16+$0x0], $0xffff  }
0xa3: {  	v4 =	vld.idx.msk [tilespmem:v4+s17+$0x0], $0xffff  }
0xa4: {  	v6 =	vld.idx.msk [tilespmem:v6+s16+$0x0], $0xffff  }
0xa5: {  	v12 =	vld [tilespmem:s7+$0x0]  }
0xa6: {  	v13 =	vor.u32 v1, v11;
	v10 =	vld.idx.msk [tilespmem:v7+s17+$0x0], $0xffff  }
0xa7: {  	v8 =	vshll.u32 v8, $0x6  }
0xa8: {  	v16 =	vor.u32 v0, v8;
	v4 =	vadd.f32 v9, v4  }
0xa9: {  	v15 =	vld [tilespmem:s7+$0xFFFFFFD0]  }
0xaa: {  	v20 =	vld [tilespmem:s7+$0xFFFFFFE0];
	v6 =	vshll.u32 v6, $0x6;
	v14 =	vor.u32 v1, v5;
	[tilespmem:s7+$0xFFFFFFC0] =	vst v4  }
0xab: {  	s9 =	simm.s32 $0x11AC0;
	v4 =	vadd.f32 v12, v10;
	v12 =	vld.idx.msk [tilespmem:v13+s17+$0x0], $0xffff;
	v13 =	vor.u32 v0, v6  }
0xac: {  	v63 =	vld [tilespmem:s9+$0x0]  }
0xad: {  	v16 =	vld.idx.msk [tilespmem:v16+s17+$0x0], $0xffff  }
0xae: {  	v9 =	vld [tilespmem:s7+$0x10];
	[tilespmem:s7+$0x0] =	vst v4  }
0xaf: {  	s21 =	simm.s32 $0x85;
	s24 =	simm.s32 $0x84;
	v17 =	vor.u32 v2, v11;
	v14 =	vld.idx.msk [tilespmem:v14+s17+$0x0], $0xffff  }
0xb0: {  	v10 =	vmov s21;
	v12 =	vadd.f32 v15, v12;
	v15 =	vmov s24;
	v19 =	vld.idx.msk [tilespmem:v13+s17+$0x0], $0xffff  }
0xb1: {  	v13 =	vand.u32 $0xFFFFFFFE, v15;
	v15 =	vld [tilespmem:s9+$0xFFFFFFC0]  }
0xb2: {  	v7 =	vld [tilespmem:s7+$0x20]  }
0xb3: {  	v4 =	vld [tilespmem:s7+$0x30];
	[tilespmem:s7+$0xFFFFFFD0] =	vst v12;
	v13 =	vbroadcast v13, $0x0;
	v12 =	vor.u32 v2, v5  }
0xb4: {  	v18 =	vld.idx.msk [tilespmem:v17+s17+$0x0], $0xffff  }
0xb5: {  	v10 =	vld.idx.msk [tilespmem:v10+s16+$0x0], $0xffff;
	v9 =	vadd.f32 v9, v14  }
0xb6: {  	v14 =	vor.u32 v3, v11;
	v11 =	vld [tilespmem:s9+$0x20];
	v15 =	vadd.f32 v15, v16;
	v16 =	vor.u32 v1, v8  }
0xb7: {  	[tilespmem:s7+$0x10] =	vst v9;
	v9 =	vld [tilespmem:s9+$0x10]  }
0xb8: {  	v12 =	vld.idx.msk [tilespmem:v12+s17+$0x0], $0xffff  }
0xb9: {  	v17 =	vld.idx.msk [tilespmem:v13+s16+$0x0], $0xffff;
	[tilespmem:s9+$0xFFFFFFC0] =	vst v15;
	v15 =	vor.u32 v1, v6;
	v18 =	vadd.f32 v20, v18  }
0xba: {  	s8 =	simm.s32 $0x11AC0;
	s10 =	simm.s32 $0x4;
	v19 =	vadd.f32 v63, v19;
	v13 =	vld [tilespmem:s9+$0xFFFFFFD0]  }
.LBB2_4:
0xbb: {  	s11 =	sadd.s32 $0x83, s10;
	v16 =	vld.idx.msk [tilespmem:v16+s17+$0x0], $0xffff;
	[tilespmem:s7+$0xFFFFFFE0] =	vst v18;
	v18 =	vor.u32 v3, v5;
	v5 =	vmov v6  }
0xbc: {  	v6 =	vshll.u32 v10, $0x6;
	v20 =	vmov s11;
	[tilespmem:s9+$0x0] =	vst v19;
	v14 =	vld.idx.msk [tilespmem:v14+s17+$0x0], $0xffff  }
0xbd: {  	v19 =	vor.u32 v0, v6;
	v10 =	vadd.f32 v7, v12;
	v21 =	vld [tilespmem:s7+$0xFFFFFFF0]  }
0xbe: {  	v17 =	vshll.u32 v17, $0x6;
	v12 =	vld.idx.msk [tilespmem:v15+s17+$0x0], $0xffff;
	v7 =	vmov v11  }
0xbf: {  	v11 =	vor.u32 v0, v17;
	v15 =	vld [tilespmem:s9+$0x30];
	[tilespmem:s7+$0x20] =	vst v10  }
0xc0: {  	v22 =	vor.u32 v2, v8;
	v18 =	vld.idx.msk [tilespmem:v18+s17+$0x0], $0xffff  }
0xc1: {  	s11 =	sadd.s32 $0x82, s10;
	v13 =	vadd.f32 v13, v16;
	v10 =	vld.idx.msk [tilespmem:v20+s16+$0x0], $0xffff  }
0xc2: {  	s10 =	sadd.s32 $0x2, s10;
	s9 =	sadd.s32 $0x80, s9;
	v16 =	vmov s11;
	v19 =	vld.idx.msk [tilespmem:v19+s17+$0x0], $0xffff;
	v14 =	vadd.f32 v21, v14  }
0xc3: {  	p0 =	slt.u32 s10, $0x7E;
	v16 =	vand.u32 $0xFFFFFFFE, v16;
	v20 =	vld [tilespmem:s9+$0xFFFFFFC0];
	[tilespmem:s8+$0xFFFFFFD0] =	vst v13  }
0xc4: {  	v13 =	vbroadcast v16, $0x0;
	v9 =	vadd.f32 v9, v12;
	v12 =	vor.u32 v2, v5;
	v11 =	vld.idx.msk [tilespmem:v11+s17+$0x0], $0xffff;
	[tilespmem:s7+$0xFFFFFFF0] =	vst v14  }
0xc5: {  	v21 =	vld.idx.msk [tilespmem:v22+s17+$0x0], $0xffff  }
0xc6: {  	v14 =	vadd.f32 v4, v18;
	v4 =	vmov v15;
	v22 =	vld [tilespmem:s8+$0xFFFFFFE0];
	[tilespmem:s8+$0x10] =	vst v9  }
0xc7: {  	v23 =	vld [tilespmem:s9+$0x0]  }
.Ltmp1:
0xc8: {  	v16 =	vor.u32 v1, v17;
	v9 =	vld [tilespmem:s9+$0x10];
	[tilespmem:s7+$0x30] =	vst v14;
	s7 =	smov.u32 s8;
	s8 =	smov.u32 s9;
	(pc) =	sbr.rel @p0 .LBB2_4-.Ltmp1, $4  }
0xc9: {  	v14 =	vor.u32 v3, v8;
	v8 =	vmov v17;
	v12 =	vld.idx.msk [tilespmem:v12+s17+$0x0], $0xffff  }
0xca: {  	v17 =	vld.idx.msk [tilespmem:v13+s16+$0x0], $0xffff;
	v13 =	vadd.f32 v20, v11  }
0xcb: {  	v15 =	vor.u32 v1, v6;
	v11 =	vld [tilespmem:s9+$0x20];
	v18 =	vadd.f32 v22, v21  }
0xcc: {  	[tilespmem:s9+$0xFFFFFFC0] =	vst v13;
	v13 =	vld [tilespmem:s9+$0xFFFFFFD0];
	v19 =	vadd.f32 v23, v19  }
0xcd: {  	_ = 	snop  }
0xce: {  	v10 =	vshll.u32 v10, $0x6  }
0xcf: {  	v21 =	vor.u32 v0, v10;
	v17 =	vshll.u32 v17, $0x6  }
0xd0: {  	v20 =	vor.u32 v0, v17  }
0xd1: {  	s10 =	sadd.s32 $0x80, s9  }
0xd2: {  	v22 =	vld [tilespmem:s10+$0xFFFFFFC0]  }
0xd3: {  	v23 =	vld [tilespmem:s10+$0x0]  }
0xd4: {  	v21 =	vld.idx.msk [tilespmem:v21+s17+$0x0], $0xffff  }
0xd5: {  	v20 =	vld.idx.msk [tilespmem:v20+s17+$0x0], $0xffff  }
0xd6: {  	v16 =	vld.idx.msk [tilespmem:v16+s17+$0x0], $0xffff  }
0xd7: {  	v40 =	vld [tilespmem:s9+$0x30];
	v41 =	vor.u32 v1, v10  }
0xd8: {  	v50 =	vld [tilespmem:s8+$0xFFFFFFE0];
	v24 =	vor.u32 v1, v17  }
0xd9: {  	[tilespmem:s9+$0x0] =	vst v19;
	v42 =	vld [tilespmem:s10+$0xFFFFFFD0];
	v43 =	vadd.f32 v23, v21  }
0xda: {  	v15 =	vld.idx.msk [tilespmem:v15+s17+$0x0], $0xffff;
	v20 =	vadd.f32 v22, v20  }
0xdb: {  	v46 =	vld [tilespmem:s10+$0x10];
	[tilespmem:s10+$0x0] =	vst v43  }
0xdc: {  	v47 =	vld.idx.msk [tilespmem:v41+s17+$0x0], $0xffff;
	[tilespmem:s10+$0xFFFFFFC0] =	vst v20  }
0xdd: {  	v45 =	vor.u32 v2, v6;
	v44 =	vld.idx.msk [tilespmem:v24+s17+$0x0], $0xffff  }
0xde: {  	v25 =	vor.u32 v2, v8;
	v51 =	vld [tilespmem:s7+$0xFFFFFFF0];
	v13 =	vadd.f32 v13, v16  }
0xdf: {  	v60 =	vld [tilespmem:s8+$0xFFFFFFF0];
	v52 =	vor.u32 v2, v10;
	v9 =	vadd.f32 v9, v15  }
0xe0: {  	v55 =	vld [tilespmem:s10+$0xFFFFFFE0];
	v48 =	vor.u32 v2, v17;
	[tilespmem:s8+$0xFFFFFFD0] =	vst v13  }
0xe1: {  	v56 =	vld [tilespmem:s10+$0x20];
	[tilespmem:s8+$0x10] =	vst v9;
	v13 =	vadd.f32 v46, v47  }
0xe2: {  	v16 =	vld.idx.msk [tilespmem:v45+s17+$0x0], $0xffff;
	v20 =	vadd.f32 v42, v44  }
0xe3: {  	v5 =	vor.u32 v3, v5;
	v49 =	vld.idx.msk [tilespmem:v25+s17+$0x0], $0xffff;
	[tilespmem:s10+$0x10] =	vst v13  }
0xe4: {  	v58 =	vld.idx.msk [tilespmem:v52+s17+$0x0], $0xffff;
	[tilespmem:s10+$0xFFFFFFD0] =	vst v20  }
0xe5: {  	[tilespmem:s7+$0xFFFFFFE0] =	vst v18;
	v57 =	vor.u32 v3, v6;
	v7 =	vadd.f32 v7, v12;
	v54 =	vld.idx.msk [tilespmem:v48+s17+$0x0], $0xffff  }
0xe6: {  	v53 =	vor.u32 v3, v8;
	v14 =	vld.idx.msk [tilespmem:v14+s17+$0x0], $0xffff  }
0xe7: {  	v10 =	vor.u32 v3, v10;
	v61 =	vld [tilespmem:s10+$0x30];
	[tilespmem:s7+$0x20] =	vst v7;
	v11 =	vadd.f32 v11, v16  }
0xe8: {  	v59 =	vor.u32 v3, v17;
	v5 =	vld.idx.msk [tilespmem:v5+s17+$0x0], $0xffff;
	v15 =	vadd.f32 v50, v49  }
0xe9: {  	v62 =	vld [tilespmem:s10+$0xFFFFFFF0];
	[tilespmem:s8+$0x20] =	vst v11;
	v7 =	vadd.f32 v56, v58  }
0xea: {  	[tilespmem:s8+$0xFFFFFFE0] =	vst v15;
	v6 =	vld.idx.msk [tilespmem:v57+s17+$0x0], $0xffff;
	v12 =	vadd.f32 v55, v54  }
0xeb: {  	v8 =	vld.idx.msk [tilespmem:v53+s17+$0x0], $0xffff;
	[tilespmem:s10+$0x20] =	vst v7  }
0xec: {  	v10 =	vld.idx.msk [tilespmem:v10+s17+$0x0], $0xffff;
	[tilespmem:s10+$0xFFFFFFE0] =	vst v12  }
0xed: {  	v4 =	vadd.f32 v4, v5;
	v9 =	vld.idx.msk [tilespmem:v59+s17+$0x0], $0xffff  }
0xee: {  	v63 =	vadd.f32 v51, v14  }
0xef: {  	[tilespmem:s7+$0x30] =	vst v4;
	v4 =	vadd.f32 v40, v6  }
0xf0: {  	[tilespmem:s7+$0xFFFFFFF0] =	vst v63;
	v5 =	vadd.f32 v60, v8  }
0xf1: {  	[tilespmem:s8+$0x30] =	vst v4;
	v4 =	vadd.f32 v61, v10  }
0xf2: {  	[tilespmem:s8+$0xFFFFFFF0] =	vst v5;
	v5 =	vadd.f32 v62, v9  }
0xf3: {  	[tilespmem:s10+$0x30] =	vst v4  }
0xf4: {  	[tilespmem:s10+$0xFFFFFFF0] =	vst v5  }
0xf5: {  	s24 =	simm.s32 $0x0;
	s7 =	rddreg [dreg:$0x7]  }
0xf6: {  	[hbm4b:s7+s24] =	stream.linear.scatter [tilespmem:s20], [sflag:$0x6], $0x2000, $0x38;
	[tilespmem:$0x17A00] =	vst v63  }
0xf7: {  	s7 =	simm.s32 $0x0  }
.LBB2_6:
0xf8: {  	s9 =	sadd.s32 $0xFFFFFFFE, s24  }
0xf9: {  	s8 =	sadd.s32 $0x102, s9  }
0xfa: {  	v4 =	vmov s8  }
0xfb: {  	_ =	swait.ge [sflag:s28], $0x2000;
	v4 =	vand.u32 $0xFFFFFFFE, v4  }
0xfc: {  	s11 =	sshll.u32 s7, $0x9;
	[sflag:s28] =	ssyncset.done $0x0;
	v4 =	vbroadcast v4, $0x0  }
0xfd: {  	s9 =	sadd.s32 $0x103, s9;
	[sflag:s28] =	ssyncadd.s32 $0xFFFFE000;
	s8 =	sadd.s32 $0x200, s11  }
0xfe: {  	[tilespmem:s15], [sflag:$0x1] =	stream.indirect.gather [hbm4b:s6+s18], $0x40, s8, s18, $0xb8;
	[tilespmem:$0x17A00] =	vst v63  }
0xff: {  	v5 =	vmov s9;
	_ =	swait.ge [sflag:s29], $0x2000  }
0x100: {  	[sflag:s29] =	ssyncset.done $0x0  }
0x101: {  	[sflag:s29] =	ssyncadd.s32 $0xFFFFE000  }
0x102: {  	v4 =	vld.idx.msk [tilespmem:v4+s16+$0x0], $0xffff;
	_ =	sdelay $0x1  }
0x103: {  	v5 =	vld.idx.msk [tilespmem:v5+s16+$0x0], $0xffff;
	_ =	sdelay $0x2  }
0x104: {  	s19 =	sadd.s32 $0x0, s24;
	v6 =	vshll.u32 v4, $0x6  }
0x105: {  	s10 =	sadd.s32 $0x102, s19;
	v4 =	vor.u32 v0, v6  }
0x106: {  	v8 =	vmov s10;
	v7 =	vshll.u32 v5, $0x6  }
0x107: {  	s9 =	sadd.s32 $0x103, s19;
	v8 =	vand.u32 $0xFFFFFFFE, v8;
	v5 =	vor.u32 v0, v7  }
0x108: {  	s10 =	simm.s32 $0x13A40;
	v9 =	vmov s9;
	v8 =	vbroadcast v8, $0x0  }
0x109: {  	v10 =	vld [tilespmem:s10+$0xFFFFFFC0]  }
0x10a: {  	v4 =	vld.idx.msk [tilespmem:v4+s17+$0x0], $0xffff  }
0x10b: {  	v11 =	vld [tilespmem:s10+$0x0]  }
0x10c: {  	v5 =	vld.idx.msk [tilespmem:v5+s17+$0x0], $0xffff  }
0x10d: {  	v9 =	vld.idx.msk [tilespmem:v9+s16+$0x0], $0xffff;
	v12 =	vor.u32 v1, v6  }
0x10e: {  	v8 =	vld.idx.msk [tilespmem:v8+s16+$0x0], $0xffff  }
0x10f: {  	v4 =	vadd.f32 v10, v4;
	v10 =	vor.u32 v1, v7  }
0x110: {  	v13 =	vld [tilespmem:s10+$0x10]  }
0x111: {  	s21 =	sadd.s32 $0x2, s24;
	v14 =	vld [tilespmem:s10+$0xFFFFFFD0];
	[tilespmem:s10+$0xFFFFFFC0] =	vst v4;
	v4 =	vadd.f32 v11, v5  }
0x112: {  	s9 =	sadd.s32 $0x103, s21;
	v15 =	vshll.u32 v9, $0x6;
	v9 =	vld.idx.msk [tilespmem:v12+s17+$0x0], $0xffff  }
0x113: {  	v16 =	vmov s9;
	v20 =	vld [tilespmem:s10+$0x20];
	v5 =	vshll.u32 v8, $0x6;
	[tilespmem:s10+$0x0] =	vst v4  }
0x114: {  	s9 =	simm.s32 $0x13AC0;
	v8 =	vld.idx.msk [tilespmem:v10+s17+$0x0], $0xffff;
	v10 =	vor.u32 v0, v5  }
0x115: {  	v17 =	vld [tilespmem:s9+$0xFFFFFFC0];
	v12 =	vor.u32 v2, v6  }
0x116: {  	s12 =	sadd.s32 $0x102, s21;
	v19 =	vld [tilespmem:s10+$0xFFFFFFE0]  }
0x117: {  	v21 =	vld [tilespmem:s9+$0x0];
	v11 =	vor.u32 v0, v15;
	v9 =	vadd.f32 v14, v9;
	v14 =	vmov s12  }
0x118: {  	v16 =	vld.idx.msk [tilespmem:v16+s16+$0x0], $0xffff;
	v14 =	vand.u32 $0xFFFFFFFE, v14  }
0x119: {  	v18 =	vor.u32 v2, v7;
	[tilespmem:s10+$0xFFFFFFD0] =	vst v9;
	v9 =	vbroadcast v14, $0x0;
	v14 =	vld.idx.msk [tilespmem:v10+s17+$0x0], $0xffff  }
0x11a: {  	v12 =	vld.idx.msk [tilespmem:v12+s17+$0x0], $0xffff  }
0x11b: {  	v4 =	vld [tilespmem:s10+$0x30];
	v8 =	vadd.f32 v13, v8  }
0x11c: {  	v11 =	vld.idx.msk [tilespmem:v11+s17+$0x0], $0xffff;
	v13 =	vor.u32 v1, v5  }
0x11d: {  	v6 =	vor.u32 v3, v6;
	v10 =	vld [tilespmem:s9+$0x10];
	[tilespmem:s10+$0x10] =	vst v8  }
0x11e: {  	v23 =	vld.idx.msk [tilespmem:v18+s17+$0x0], $0xffff;
	v14 =	vadd.f32 v17, v14  }
0x11f: {  	v22 =	vor.u32 v1, v15;
	v8 =	vld.idx.msk [tilespmem:v9+s16+$0x0], $0xffff;
	v9 =	vadd.f32 v19, v12  }
0x120: {  	v17 =	vld [tilespmem:s9+$0xFFFFFFD0];
	[tilespmem:s9+$0xFFFFFFC0] =	vst v14  }
0x121: {  	v16 =	vshll.u32 v16, $0x6;
	v11 =	vadd.f32 v21, v11;
	v18 =	vld.idx.msk [tilespmem:v13+s17+$0x0], $0xffff;
	[tilespmem:s10+$0xFFFFFFE0] =	vst v9  }
0x122: {  	v21 =	vor.u32 v0, v16;
	v13 =	vld.idx.msk [tilespmem:v6+s17+$0x0], $0xffff  }
0x123: {  	v7 =	vor.u32 v3, v7;
	[tilespmem:s9+$0x0] =	vst v11;
	v9 =	vor.u32 v2, v15;
	v6 =	vor.u32 v3, v15;
	v15 =	vld [tilespmem:s10+$0xFFFFFFF0]  }
0x124: {  	s12 =	sshll.u32 s7, $0x2;
	v11 =	vor.u32 v2, v16;
	v12 =	vor.u32 v1, v16;
	v19 =	vld.idx.msk [tilespmem:v22+s17+$0x0], $0xffff;
	v14 =	vshll.u32 v8, $0x6  }
0x125: {  	s14 =	simm.s32 $0x13AC0;
	s15 =	simm.s32 $0x4;
	s13 =	sor.u32 $0x2, s12;
	v16 =	vor.u32 v3, v16;
	v20 =	vadd.f32 v20, v23;
	v8 =	vld [tilespmem:s9+$0x20];
	v22 =	vor.u32 v0, v14  }
.LBB2_7:
0x126: {  	s21 =	sadd.s32 s15, s24;
	v23 =	vor.u32 v2, v5;
	v24 =	vld [tilespmem:s9+$0x30]  }
0x127: {  	s15 =	sadd.s32 $0x2, s15;
	v17 =	vadd.f32 v17, v18;
	s19 =	sadd.s32 $0x102, s21;
	s21 =	sadd.s32 $0x103, s21;
	v21 =	vld.idx.msk [tilespmem:v21+s17+$0x0], $0xffff;
	[tilespmem:s10+$0x20] =	vst v20  }
0x128: {  	s9 =	sadd.s32 $0x80, s9;
	p0 =	slt.u32 s15, $0x7E;
	v18 =	vmov s19;
	v20 =	vmov s21;
	v13 =	vadd.f32 v15, v13;
	v15 =	vld.idx.msk [tilespmem:v7+s17+$0x0], $0xffff;
	v7 =	vmovc v6;
	v6 =	vmovc v16  }
0x129: {  	v16 =	vand.u32 $0xFFFFFFFE, v18;
	v18 =	vld [tilespmem:s9+$0xFFFFFFC0];
	[tilespmem:s14+$0xFFFFFFD0] =	vst v17  }
0x12a: {  	v10 =	vadd.f32 v10, v19;
	v16 =	vbroadcast v16, $0x0;
	v17 =	vld.idx.msk [tilespmem:v22+s17+$0x0], $0xffff;
	[tilespmem:s10+$0xFFFFFFF0] =	vst v13  }
0x12b: {  	v13 =	vld.idx.msk [tilespmem:v23+s17+$0x0], $0xffff  }
0x12c: {  	v19 =	vld [tilespmem:s14+$0xFFFFFFE0];
	[tilespmem:s14+$0x10] =	vst v10  }
0x12d: {  	v20 =	vld.idx.msk [tilespmem:v20+s16+$0x0], $0xffff  }
0x12e: {  	v22 =	vor.u32 v1, v14;
	v15 =	vadd.f32 v4, v15;
	v4 =	vmov v24;
	v23 =	vld [tilespmem:s9+$0x0]  }
0x12f: {  	v24 =	vor.u32 v3, v5;
	v5 =	vmov v14;
	v10 =	vld [tilespmem:s9+$0x10]  }
0x130: {  	v14 =	vld.idx.msk [tilespmem:v16+s16+$0x0], $0xffff;
	v16 =	vadd.f32 v18, v17;
	[tilespmem:s10+$0x30] =	vst v15;
	s10 =	smov.u32 s14;
	s14 =	smov.u32 s9  }
0x131: {  	v13 =	vadd.f32 v19, v13;
	v25 =	vld.idx.msk [tilespmem:v9+s17+$0x0], $0xffff;
	v9 =	vmov v11  }
0x132: {  	[tilespmem:s9+$0xFFFFFFC0] =	vst v16;
	v17 =	vld [tilespmem:s9+$0xFFFFFFD0]  }
.Ltmp2:
0x133: {  	v15 =	vshll.u32 v20, $0x6;
	v18 =	vld.idx.msk [tilespmem:v22+s17+$0x0], $0xffff;
	v19 =	vadd.f32 v23, v21;
	[tilespmem:s10+$0xFFFFFFE0] =	vst v13;
	(pc) =	sbr.rel @p0 .LBB2_7-.Ltmp2, $4  }
0x134: {  	v21 =	vor.u32 v0, v15;
	v20 =	vor.u32 v1, v15;
	v11 =	vor.u32 v2, v15;
	v13 =	vld.idx.msk [tilespmem:v24+s17+$0x0], $0xffff  }
0x135: {  	v16 =	vor.u32 v3, v15;
	[tilespmem:s9+$0x0] =	vst v19;
	v15 =	vld [tilespmem:s10+$0xFFFFFFF0]  }
0x136: {  	v14 =	vshll.u32 v14, $0x6;
	v19 =	vld.idx.msk [tilespmem:v12+s17+$0x0], $0xffff;
	v12 =	vmov v20  }
0x137: {  	v22 =	vor.u32 v0, v14;
	v20 =	vadd.f32 v8, v25;
	v8 =	vld [tilespmem:s9+$0x20]  }
0x138: {  	_ =	sdelay $0x3  }
0x139: {  	s15 =	sadd.s32 $0x80, s9;
	v22 =	vld.idx.msk [tilespmem:v22+s17+$0x0], $0xffff  }
0x13a: {  	v23 =	vld [tilespmem:s15+$0xFFFFFFC0];
	_ =	sdelay $0x1  }
0x13b: {  	v21 =	vld.idx.msk [tilespmem:v21+s17+$0x0], $0xffff  }
0x13c: {  	v24 =	vor.u32 v1, v14;
	v25 =	vld [tilespmem:s15+$0x0];
	_ =	sdelay $0x1  }
0x13d: {  	v22 =	vadd.f32 v23, v22;
	_ =	sdelay $0x1  }
0x13e: {  	[tilespmem:s15+$0xFFFFFFC0] =	vst v22;
	v22 =	vld [tilespmem:s15+$0xFFFFFFD0]  }
0x13f: {  	v21 =	vadd.f32 v25, v21;
	v24 =	vld.idx.msk [tilespmem:v24+s17+$0x0], $0xffff  }
0x140: {  	v17 =	vadd.f32 v17, v18;
	v23 =	vor.u32 v2, v5  }
0x141: {  	v10 =	vadd.f32 v10, v19;
	[tilespmem:s15+$0x0] =	vst v21;
	v21 =	vld [tilespmem:s15+$0x10]  }
0x142: {  	[tilespmem:s14+$0xFFFFFFD0] =	vst v17;
	v17 =	vor.u32 v2, v14;
	v12 =	vld.idx.msk [tilespmem:v12+s17+$0x0], $0xffff  }
0x143: {  	v18 =	vld [tilespmem:s9+$0x30];
	[tilespmem:s14+$0x10] =	vst v10  }
0x144: {  	v9 =	vld.idx.msk [tilespmem:v9+s17+$0x0], $0xffff;
	v22 =	vadd.f32 v22, v24  }
0x145: {  	v19 =	vld.idx.msk [tilespmem:v23+s17+$0x0], $0xffff  }
0x146: {  	v23 =	vld [tilespmem:s14+$0xFFFFFFE0];
	[tilespmem:s15+$0xFFFFFFD0] =	vst v22  }
0x147: {  	v10 =	vadd.f32 v21, v12;
	v12 =	vld.idx.msk [tilespmem:v17+s17+$0x0], $0xffff  }
0x148: {  	v17 =	vld [tilespmem:s15+$0xFFFFFFE0]  }
0x149: {  	v21 =	vld [tilespmem:s15+$0x20];
	[tilespmem:s15+$0x10] =	vst v10  }
0x14a: {  	[tilespmem:s10+$0x20] =	vst v20;
	v5 =	vor.u32 v3, v5;
	v8 =	vadd.f32 v8, v9;
	v10 =	vld.idx.msk [tilespmem:v11+s17+$0x0], $0xffff  }
0x14b: {  	v7 =	vld.idx.msk [tilespmem:v7+s17+$0x0], $0xffff;
	v11 =	vor.u32 v3, v14  }
0x14c: {  	v9 =	vld [tilespmem:s14+$0xFFFFFFF0];
	[tilespmem:s14+$0x20] =	vst v8;
	v19 =	vadd.f32 v23, v19  }
0x14d: {  	v6 =	vld.idx.msk [tilespmem:v6+s17+$0x0], $0xffff;
	v12 =	vadd.f32 v17, v12  }
0x14e: {  	v14 =	vld [tilespmem:s15+$0x30];
	[tilespmem:s14+$0xFFFFFFE0] =	vst v19  }
0x14f: {  	v5 =	vld.idx.msk [tilespmem:v5+s17+$0x0], $0xffff;
	v8 =	vadd.f32 v21, v10;
	[tilespmem:s15+$0xFFFFFFE0] =	vst v12  }
0x150: {  	v10 =	vld.idx.msk [tilespmem:v11+s17+$0x0], $0xffff  }
0x151: {  	v4 =	vadd.f32 v4, v7;
	[tilespmem:s15+$0x20] =	vst v8;
	v11 =	vld [tilespmem:s15+$0xFFFFFFF0]  }
0x152: {  	v12 =	vld.idx.msk [tilespmem:v16+s17+$0x0], $0xffff  }
0x153: {  	[tilespmem:s10+$0x30] =	vst v4;
	v4 =	vadd.f32 v18, v6  }
0x154: {  	v5 =	vadd.f32 v9, v5  }
0x155: {  	[tilespmem:s14+$0x30] =	vst v4;
	v8 =	vadd.f32 v15, v13  }
0x156: {  	s13 =	sshll.u32 s13, $0xD;
	[tilespmem:s14+$0xFFFFFFF0] =	vst v5;
	v5 =	vadd.f32 v11, v10  }
0x157: {  	s9 =	sadd.s32 s5, s13;
	[tilespmem:s10+$0xFFFFFFF0] =	vst v8;
	v4 =	vadd.f32 v14, v12  }
0x158: {  	s19 =	sadd.s32 $0xFFFFFFFE, s24;
	s9 =	sshrl.u32 s9, $0x3;
	[tilespmem:s15+$0xFFFFFFF0] =	vst v5  }
0x159: {  	s21 =	sadd.s32 $0x182, s19;
	s9 =	sadd.s32 s2, s9;
	[tilespmem:s15+$0x30] =	vst v4  }
0x15a: {  	v4 =	vmov s21;
	[hbm4b:s9+s3] =	stream.linear.scatter [tilespmem:s22], [sflag:$0x7], $0x2000, $0x38;
	[tilespmem:$0x17A00] =	vst v63  }
0x15b: {  	v4 =	vand.u32 $0xFFFFFFFE, v4;
	_ =	swait.ge [sflag:s30], $0x2000  }
0x15c: {  	v4 =	vbroadcast v4, $0x0;
	[sflag:s30] =	ssyncset.done $0x0  }
0x15d: {  	s13 =	sadd.s32 $0x183, s19;
	s10 =	sadd.s32 $0x280, s11;
	[sflag:s30] =	ssyncadd.s32 $0xFFFFE000  }
0x15e: {  	[tilespmem:s20], [sflag:$0x2] =	stream.indirect.gather [hbm4b:s6+s18], $0x40, s10, s18, $0xb8;
	[tilespmem:$0x17A00] =	vst v63  }
0x15f: {  	v5 =	vmov s13;
	_ =	swait.ge [sflag:s31], $0x2000  }
0x160: {  	[sflag:s31] =	ssyncset.done $0x0  }
0x161: {  	[sflag:s31] =	ssyncadd.s32 $0xFFFFE000  }
0x162: {  	v4 =	vld.idx.msk [tilespmem:v4+s16+$0x0], $0xffff;
	_ =	sdelay $0x1  }
0x163: {  	v5 =	vld.idx.msk [tilespmem:v5+s16+$0x0], $0xffff;
	_ =	sdelay $0x2  }
0x164: {  	s14 =	sadd.s32 $0x0, s24;
	v6 =	vshll.u32 v4, $0x6  }
0x165: {  	s15 =	sadd.s32 $0x182, s14;
	v4 =	vor.u32 v0, v6  }
0x166: {  	v8 =	vmov s15;
	v7 =	vshll.u32 v5, $0x6  }
0x167: {  	s9 =	sadd.s32 $0x183, s14;
	v8 =	vand.u32 $0xFFFFFFFE, v8;
	v5 =	vor.u32 v0, v7  }
0x168: {  	s13 =	simm.s32 $0x15A40;
	v9 =	vmov s9;
	v8 =	vbroadcast v8, $0x0  }
0x169: {  	v10 =	vld [tilespmem:s13+$0xFFFFFFC0]  }
0x16a: {  	v4 =	vld.idx.msk [tilespmem:v4+s17+$0x0], $0xffff  }
0x16b: {  	v11 =	vld [tilespmem:s13+$0x0]  }
0x16c: {  	v5 =	vld.idx.msk [tilespmem:v5+s17+$0x0], $0xffff  }
0x16d: {  	v9 =	vld.idx.msk [tilespmem:v9+s16+$0x0], $0xffff;
	v12 =	vor.u32 v1, v6  }
0x16e: {  	v8 =	vld.idx.msk [tilespmem:v8+s16+$0x0], $0xffff  }
0x16f: {  	v4 =	vadd.f32 v10, v4;
	v10 =	vor.u32 v1, v7  }
0x170: {  	s19 =	sadd.s32 $0x2, s24;
	v13 =	vld [tilespmem:s13+$0x10]  }
0x171: {  	s9 =	sadd.s32 $0x183, s19;
	v14 =	vld [tilespmem:s13+$0xFFFFFFD0];
	[tilespmem:s13+$0xFFFFFFC0] =	vst v4;
	v4 =	vadd.f32 v11, v5  }
0x172: {  	v16 =	vmov s9;
	v15 =	vshll.u32 v9, $0x6;
	v9 =	vld.idx.msk [tilespmem:v12+s17+$0x0], $0xffff  }
0x173: {  	v20 =	vld [tilespmem:s13+$0x20];
	v5 =	vshll.u32 v8, $0x6;
	[tilespmem:s13+$0x0] =	vst v4  }
0x174: {  	s9 =	simm.s32 $0x15AC0;
	v8 =	vld.idx.msk [tilespmem:v10+s17+$0x0], $0xffff;
	v10 =	vor.u32 v0, v5  }
0x175: {  	v17 =	vld [tilespmem:s9+$0xFFFFFFC0];
	v12 =	vor.u32 v2, v6  }
0x176: {  	s21 =	sadd.s32 $0x182, s19;
	v19 =	vld [tilespmem:s13+$0xFFFFFFE0]  }
0x177: {  	v16 =	vld.idx.msk [tilespmem:v16+s16+$0x0], $0xffff;
	v11 =	vor.u32 v0, v15;
	v9 =	vadd.f32 v14, v9;
	v14 =	vmov s21  }
0x178: {  	v21 =	vld [tilespmem:s9+$0x0];
	v14 =	vand.u32 $0xFFFFFFFE, v14  }
0x179: {  	v18 =	vor.u32 v2, v7;
	[tilespmem:s13+$0xFFFFFFD0] =	vst v9;
	v9 =	vbroadcast v14, $0x0;
	v14 =	vld.idx.msk [tilespmem:v10+s17+$0x0], $0xffff  }
0x17a: {  	v12 =	vld.idx.msk [tilespmem:v12+s17+$0x0], $0xffff  }
0x17b: {  	v4 =	vld [tilespmem:s13+$0x30];
	v8 =	vadd.f32 v13, v8  }
0x17c: {  	v11 =	vld.idx.msk [tilespmem:v11+s17+$0x0], $0xffff;
	v13 =	vor.u32 v1, v5  }
0x17d: {  	v6 =	vor.u32 v3, v6;
	v10 =	vld [tilespmem:s9+$0x10];
	[tilespmem:s13+$0x10] =	vst v8  }
0x17e: {  	v23 =	vld.idx.msk [tilespmem:v18+s17+$0x0], $0xffff;
	v14 =	vadd.f32 v17, v14  }
0x17f: {  	v22 =	vor.u32 v1, v15;
	v8 =	vld.idx.msk [tilespmem:v9+s16+$0x0], $0xffff;
	v9 =	vadd.f32 v19, v12  }
0x180: {  	v17 =	vld [tilespmem:s9+$0xFFFFFFD0];
	[tilespmem:s9+$0xFFFFFFC0] =	vst v14  }
0x181: {  	v16 =	vshll.u32 v16, $0x6;
	v11 =	vadd.f32 v21, v11;
	v18 =	vld.idx.msk [tilespmem:v13+s17+$0x0], $0xffff;
	[tilespmem:s13+$0xFFFFFFE0] =	vst v9  }
0x182: {  	v21 =	vor.u32 v0, v16;
	v14 =	vld.idx.msk [tilespmem:v6+s17+$0x0], $0xffff  }
0x183: {  	v7 =	vor.u32 v3, v7;
	[tilespmem:s9+$0x0] =	vst v11;
	v9 =	vor.u32 v2, v15;
	v6 =	vor.u32 v3, v15;
	v15 =	vld [tilespmem:s13+$0xFFFFFFF0]  }
0x184: {  	v11 =	vor.u32 v2, v16;
	v12 =	vor.u32 v1, v16;
	v19 =	vld.idx.msk [tilespmem:v22+s17+$0x0], $0xffff;
	v13 =	vshll.u32 v8, $0x6  }
0x185: {  	s12 =	sor.u32 $0x3, s12;
	s15 =	simm.s32 $0x4;
	s14 =	simm.s32 $0x15AC0;
	v16 =	vor.u32 v3, v16;
	v20 =	vadd.f32 v20, v23;
	v8 =	vld [tilespmem:s9+$0x20];
	v22 =	vor.u32 v0, v13  }
.LBB2_9:
0x186: {  	s19 =	sadd.s32 s15, s24;
	v23 =	vor.u32 v2, v5;
	v24 =	vld [tilespmem:s9+$0x30]  }
0x187: {  	s15 =	sadd.s32 $0x2, s15;
	v17 =	vadd.f32 v17, v18;
	s21 =	sadd.s32 $0x182, s19;
	s19 =	sadd.s32 $0x183, s19;
	v21 =	vld.idx.msk [tilespmem:v21+s17+$0x0], $0xffff;
	[tilespmem:s13+$0x20] =	vst v20  }
0x188: {  	s9 =	sadd.s32 $0x80, s9;
	p0 =	slt.u32 s15, $0x7E;
	v18 =	vmov s21;
	v20 =	vmov s19;
	v14 =	vadd.f32 v15, v14;
	v15 =	vld.idx.msk [tilespmem:v7+s17+$0x0], $0xffff;
	v7 =	vmovc v6;
	v6 =	vmovc v16  }
0x189: {  	v16 =	vand.u32 $0xFFFFFFFE, v18;
	v18 =	vld [tilespmem:s9+$0xFFFFFFC0];
	[tilespmem:s14+$0xFFFFFFD0] =	vst v17  }
0x18a: {  	v10 =	vadd.f32 v10, v19;
	v16 =	vbroadcast v16, $0x0;
	v17 =	vld.idx.msk [tilespmem:v22+s17+$0x0], $0xffff;
	[tilespmem:s13+$0xFFFFFFF0] =	vst v14  }
0x18b: {  	v14 =	vld.idx.msk [tilespmem:v23+s17+$0x0], $0xffff  }
0x18c: {  	v19 =	vld [tilespmem:s14+$0xFFFFFFE0];
	[tilespmem:s14+$0x10] =	vst v10  }
0x18d: {  	v20 =	vld.idx.msk [tilespmem:v20+s16+$0x0], $0xffff  }
0x18e: {  	v22 =	vor.u32 v1, v13;
	v15 =	vadd.f32 v4, v15;
	v4 =	vmov v24;
	v23 =	vld [tilespmem:s9+$0x0]  }
0x18f: {  	v24 =	vor.u32 v3, v5;
	v5 =	vmov v13;
	v10 =	vld [tilespmem:s9+$0x10]  }
0x190: {  	v13 =	vld.idx.msk [tilespmem:v16+s16+$0x0], $0xffff;
	v16 =	vadd.f32 v18, v17;
	[tilespmem:s13+$0x30] =	vst v15;
	s13 =	smov.u32 s14;
	s14 =	smov.u32 s9  }
0x191: {  	v14 =	vadd.f32 v19, v14;
	v25 =	vld.idx.msk [tilespmem:v9+s17+$0x0], $0xffff;
	v9 =	vmov v11  }
0x192: {  	[tilespmem:s9+$0xFFFFFFC0] =	vst v16;
	v17 =	vld [tilespmem:s9+$0xFFFFFFD0]  }
.Ltmp3:
0x193: {  	v15 =	vshll.u32 v20, $0x6;
	v18 =	vld.idx.msk [tilespmem:v22+s17+$0x0], $0xffff;
	v19 =	vadd.f32 v23, v21;
	[tilespmem:s13+$0xFFFFFFE0] =	vst v14;
	(pc) =	sbr.rel @p0 .LBB2_9-.Ltmp3, $4  }
0x194: {  	v21 =	vor.u32 v0, v15;
	v20 =	vor.u32 v1, v15;
	v11 =	vor.u32 v2, v15;
	v14 =	vld.idx.msk [tilespmem:v24+s17+$0x0], $0xffff  }
0x195: {  	v16 =	vor.u32 v3, v15;
	[tilespmem:s9+$0x0] =	vst v19;
	v15 =	vld [tilespmem:s13+$0xFFFFFFF0]  }
0x196: {  	v13 =	vshll.u32 v13, $0x6;
	v19 =	vld.idx.msk [tilespmem:v12+s17+$0x0], $0xffff;
	v12 =	vmov v20  }
0x197: {  	v22 =	vor.u32 v0, v13;
	v20 =	vadd.f32 v8, v25;
	v8 =	vld [tilespmem:s9+$0x20]  }
0x198: {  	_ =	sdelay $0x3  }
0x199: {  	s15 =	sadd.s32 $0x80, s9;
	v22 =	vld.idx.msk [tilespmem:v22+s17+$0x0], $0xffff  }
0x19a: {  	v23 =	vld [tilespmem:s15+$0xFFFFFFC0];
	_ =	sdelay $0x1  }
0x19b: {  	v21 =	vld.idx.msk [tilespmem:v21+s17+$0x0], $0xffff  }
0x19c: {  	v24 =	vor.u32 v1, v13;
	v25 =	vld [tilespmem:s15+$0x0];
	_ =	sdelay $0x1  }
0x19d: {  	v22 =	vadd.f32 v23, v22;
	_ =	sdelay $0x1  }
0x19e: {  	[tilespmem:s15+$0xFFFFFFC0] =	vst v22;
	v22 =	vld [tilespmem:s15+$0xFFFFFFD0]  }
0x19f: {  	v23 =	vor.u32 v2, v5;
	v21 =	vadd.f32 v25, v21;
	v24 =	vld.idx.msk [tilespmem:v24+s17+$0x0], $0xffff  }
0x1a0: {  	v63 =	vld [tilespmem:s9+$0x30];
	v17 =	vadd.f32 v17, v18  }
0x1a1: {  	v18 =	vld [tilespmem:s15+$0x10];
	[tilespmem:s15+$0x0] =	vst v21  }
0x1a2: {  	[tilespmem:s14+$0xFFFFFFD0] =	vst v17;
	v17 =	vor.u32 v2, v13;
	v10 =	vadd.f32 v10, v19;
	v12 =	vld.idx.msk [tilespmem:v12+s17+$0x0], $0xffff  }
0x1a3: {  	v21 =	vld [tilespmem:s14+$0xFFFFFFE0]  }
0x1a4: {  	[tilespmem:s14+$0x10] =	vst v10;
	v19 =	vld.idx.msk [tilespmem:v23+s17+$0x0], $0xffff;
	v22 =	vadd.f32 v22, v24  }
0x1a5: {  	v9 =	vld.idx.msk [tilespmem:v9+s17+$0x0], $0xffff  }
0x1a6: {  	[tilespmem:s15+$0xFFFFFFD0] =	vst v22  }
0x1a7: {  	v10 =	vadd.f32 v18, v12;
	v12 =	vld.idx.msk [tilespmem:v17+s17+$0x0], $0xffff  }
0x1a8: {  	v17 =	vld [tilespmem:s15+$0xFFFFFFE0]  }
0x1a9: {  	v18 =	vadd.f32 v21, v19;
	v19 =	vld [tilespmem:s15+$0x20];
	[tilespmem:s15+$0x10] =	vst v10  }
0x1aa: {  	[tilespmem:s13+$0x20] =	vst v20;
	v5 =	vor.u32 v3, v5;
	v8 =	vadd.f32 v8, v9;
	v10 =	vld.idx.msk [tilespmem:v11+s17+$0x0], $0xffff  }
0x1ab: {  	v7 =	vld.idx.msk [tilespmem:v7+s17+$0x0], $0xffff;
	v11 =	vor.u32 v3, v13  }
0x1ac: {  	v9 =	vld [tilespmem:s14+$0xFFFFFFF0];
	[tilespmem:s14+$0x20] =	vst v8  }
0x1ad: {  	v6 =	vld.idx.msk [tilespmem:v6+s17+$0x0], $0xffff;
	v12 =	vadd.f32 v17, v12  }
0x1ae: {  	v13 =	vld [tilespmem:s15+$0x30];
	[tilespmem:s14+$0xFFFFFFE0] =	vst v18  }
0x1af: {  	v5 =	vld.idx.msk [tilespmem:v5+s17+$0x0], $0xffff;
	v8 =	vadd.f32 v19, v10;
	[tilespmem:s15+$0xFFFFFFE0] =	vst v12  }
0x1b0: {  	v10 =	vld.idx.msk [tilespmem:v11+s17+$0x0], $0xffff  }
0x1b1: {  	[tilespmem:s15+$0x20] =	vst v8;
	v11 =	vld [tilespmem:s15+$0xFFFFFFF0]  }
0x1b2: {  	v4 =	vadd.f32 v4, v7;
	v12 =	vld.idx.msk [tilespmem:v16+s17+$0x0], $0xffff  }
0x1b3: {  	v8 =	vadd.f32 v15, v14  }
0x1b4: {  	[tilespmem:s13+$0x30] =	vst v4;
	v5 =	vadd.f32 v9, v5  }
0x1b5: {  	v4 =	vadd.f32 v63, v6;
	[tilespmem:s13+$0xFFFFFFF0] =	vst v8  }
0x1b6: {  	[tilespmem:s14+$0xFFFFFFF0] =	vst v5;
	s13 =	sshll.u32 s12, $0xD;
	v5 =	vadd.f32 v11, v10  }
0x1b7: {  	[tilespmem:s14+$0x30] =	vst v4;
	s9 =	sadd.s32 s5, s13;
	v4 =	vadd.f32 v13, v12  }
0x1b8: {  	s19 =	sadd.s32 $0xFFFFFFFE, s24;
	s9 =	sshrl.u32 s9, $0x3;
	[tilespmem:s15+$0xFFFFFFF0] =	vst v5  }
0x1b9: {  	s21 =	sadd.s32 $0x202, s19;
	s9 =	sadd.s32 s2, s9;
	[tilespmem:s15+$0x30] =	vst v4  }
0x1ba: {  	v4 =	vmov s21;
	[hbm4b:s9+s3] =	stream.linear.scatter [tilespmem:s25], [sflag:$0x8], $0x2000, $0x38;
	[tilespmem:$0x17A00] =	vst v63  }
0x1bb: {  	v4 =	vand.u32 $0xFFFFFFFE, v4;
	_ =	swait.ge [sflag:s1], $0x2000  }
0x1bc: {  	s11 =	sand.u32 $0x3FFFFE00, s11;
	v4 =	vbroadcast v4, $0x0;
	[sflag:s1] =	ssyncset.done $0x0  }
0x1bd: {  	s12 =	sadd.s32 $0x203, s19;
	s13 =	sadd.s32 $0x300, s11;
	[sflag:s1] =	ssyncadd.s32 $0xFFFFE000  }
0x1be: {  	[tilespmem:s22], [sflag:$0x3] =	stream.indirect.gather [hbm4b:s6+s18], $0x40, s13, s18, $0xb8;
	[tilespmem:$0x17A00] =	vst v63  }
0x1bf: {  	v5 =	vmov s12;
	_ =	swait.ge [sflag:s23], $0x2000  }
0x1c0: {  	[sflag:s23] =	ssyncset.done $0x0  }
0x1c1: {  	[sflag:s23] =	ssyncadd.s32 $0xFFFFE000  }
0x1c2: {  	v4 =	vld.idx.msk [tilespmem:v4+s16+$0x0], $0xffff;
	_ =	sdelay $0x1  }
0x1c3: {  	v5 =	vld.idx.msk [tilespmem:v5+s16+$0x0], $0xffff;
	_ =	sdelay $0x2  }
0x1c4: {  	s14 =	sadd.s32 $0x0, s24;
	v6 =	vshll.u32 v4, $0x6  }
0x1c5: {  	s15 =	sadd.s32 $0x202, s14;
	v4 =	vor.u32 v0, v6  }
0x1c6: {  	v8 =	vmov s15;
	v7 =	vshll.u32 v5, $0x6  }
0x1c7: {  	s9 =	sadd.s32 $0x203, s14;
	v8 =	vand.u32 $0xFFFFFFFE, v8;
	v5 =	vor.u32 v0, v7  }
0x1c8: {  	s12 =	simm.s32 $0xFA40;
	v9 =	vmov s9;
	v8 =	vbroadcast v8, $0x0  }
0x1c9: {  	v10 =	vld [tilespmem:s12+$0xFFFFFFC0]  }
0x1ca: {  	v4 =	vld.idx.msk [tilespmem:v4+s17+$0x0], $0xffff  }
0x1cb: {  	v11 =	vld [tilespmem:s12+$0x0]  }
0x1cc: {  	v5 =	vld.idx.msk [tilespmem:v5+s17+$0x0], $0xffff  }
0x1cd: {  	v9 =	vld.idx.msk [tilespmem:v9+s16+$0x0], $0xffff;
	v12 =	vor.u32 v1, v6  }
0x1ce: {  	v8 =	vld.idx.msk [tilespmem:v8+s16+$0x0], $0xffff  }
0x1cf: {  	v4 =	vadd.f32 v10, v4;
	v10 =	vor.u32 v1, v7  }
0x1d0: {  	s19 =	sadd.s32 $0x2, s24;
	v13 =	vld [tilespmem:s12+$0x10]  }
0x1d1: {  	s9 =	sadd.s32 $0x203, s19;
	v14 =	vld [tilespmem:s12+$0xFFFFFFD0];
	[tilespmem:s12+$0xFFFFFFC0] =	vst v4;
	v4 =	vadd.f32 v11, v5  }
0x1d2: {  	v16 =	vmov s9;
	v15 =	vshll.u32 v9, $0x6;
	v9 =	vld.idx.msk [tilespmem:v12+s17+$0x0], $0xffff  }
0x1d3: {  	v20 =	vld [tilespmem:s12+$0x20];
	v5 =	vshll.u32 v8, $0x6;
	[tilespmem:s12+$0x0] =	vst v4  }
0x1d4: {  	s9 =	simm.s32 $0xFAC0;
	v8 =	vld.idx.msk [tilespmem:v10+s17+$0x0], $0xffff;
	v10 =	vor.u32 v0, v5  }
0x1d5: {  	v17 =	vld [tilespmem:s9+$0xFFFFFFC0];
	v12 =	vor.u32 v2, v6  }
0x1d6: {  	s21 =	sadd.s32 $0x202, s19;
	v19 =	vld [tilespmem:s12+$0xFFFFFFE0]  }
0x1d7: {  	v16 =	vld.idx.msk [tilespmem:v16+s16+$0x0], $0xffff;
	v11 =	vor.u32 v0, v15;
	v9 =	vadd.f32 v14, v9;
	v14 =	vmov s21  }
0x1d8: {  	v21 =	vld [tilespmem:s9+$0x0];
	v14 =	vand.u32 $0xFFFFFFFE, v14  }
0x1d9: {  	v18 =	vor.u32 v2, v7;
	[tilespmem:s12+$0xFFFFFFD0] =	vst v9;
	v9 =	vbroadcast v14, $0x0;
	v14 =	vld.idx.msk [tilespmem:v10+s17+$0x0], $0xffff  }
0x1da: {  	v12 =	vld.idx.msk [tilespmem:v12+s17+$0x0], $0xffff  }
0x1db: {  	v4 =	vld [tilespmem:s12+$0x30];
	v8 =	vadd.f32 v13, v8  }
0x1dc: {  	v11 =	vld.idx.msk [tilespmem:v11+s17+$0x0], $0xffff;
	v13 =	vor.u32 v1, v5  }
0x1dd: {  	v6 =	vor.u32 v3, v6;
	v10 =	vld [tilespmem:s9+$0x10];
	[tilespmem:s12+$0x10] =	vst v8  }
0x1de: {  	v23 =	vld.idx.msk [tilespmem:v18+s17+$0x0], $0xffff;
	v14 =	vadd.f32 v17, v14  }
0x1df: {  	v22 =	vor.u32 v1, v15;
	v8 =	vld.idx.msk [tilespmem:v9+s16+$0x0], $0xffff;
	v9 =	vadd.f32 v19, v12  }
0x1e0: {  	v17 =	vld [tilespmem:s9+$0xFFFFFFD0];
	[tilespmem:s9+$0xFFFFFFC0] =	vst v14  }
0x1e1: {  	v16 =	vshll.u32 v16, $0x6;
	v11 =	vadd.f32 v21, v11;
	v18 =	vld.idx.msk [tilespmem:v13+s17+$0x0], $0xffff;
	[tilespmem:s12+$0xFFFFFFE0] =	vst v9  }
0x1e2: {  	v21 =	vor.u32 v0, v16;
	v14 =	vld.idx.msk [tilespmem:v6+s17+$0x0], $0xffff  }
0x1e3: {  	v7 =	vor.u32 v3, v7;
	[tilespmem:s9+$0x0] =	vst v11;
	v9 =	vor.u32 v2, v15;
	v6 =	vor.u32 v3, v15;
	v15 =	vld [tilespmem:s12+$0xFFFFFFF0]  }
0x1e4: {  	v11 =	vor.u32 v2, v16;
	v12 =	vor.u32 v1, v16;
	v19 =	vld.idx.msk [tilespmem:v22+s17+$0x0], $0xffff;
	v13 =	vshll.u32 v8, $0x6  }
0x1e5: {  	s14 =	simm.s32 $0x4;
	s13 =	simm.s32 $0xFAC0;
	v16 =	vor.u32 v3, v16;
	v20 =	vadd.f32 v20, v23;
	v8 =	vld [tilespmem:s9+$0x20];
	v22 =	vor.u32 v0, v13  }
.LBB2_11:
0x1e6: {  	s15 =	sadd.s32 s14, s24;
	v23 =	vor.u32 v2, v5;
	v24 =	vld [tilespmem:s9+$0x30]  }
0x1e7: {  	s14 =	sadd.s32 $0x2, s14;
	v17 =	vadd.f32 v17, v18;
	s19 =	sadd.s32 $0x202, s15;
	s15 =	sadd.s32 $0x203, s15;
	v21 =	vld.idx.msk [tilespmem:v21+s17+$0x0], $0xffff;
	[tilespmem:s12+$0x20] =	vst v20  }
0x1e8: {  	s9 =	sadd.s32 $0x80, s9;
	p0 =	slt.u32 s14, $0x7E;
	v18 =	vmov s19;
	v20 =	vmov s15;
	v14 =	vadd.f32 v15, v14;
	v15 =	vld.idx.msk [tilespmem:v7+s17+$0x0], $0xffff;
	v7 =	vmovc v6;
	v6 =	vmovc v16  }
0x1e9: {  	v16 =	vand.u32 $0xFFFFFFFE, v18;
	v18 =	vld [tilespmem:s9+$0xFFFFFFC0];
	[tilespmem:s13+$0xFFFFFFD0] =	vst v17  }
0x1ea: {  	v10 =	vadd.f32 v10, v19;
	v16 =	vbroadcast v16, $0x0;
	v17 =	vld.idx.msk [tilespmem:v22+s17+$0x0], $0xffff;
	[tilespmem:s12+$0xFFFFFFF0] =	vst v14  }
0x1eb: {  	v14 =	vld.idx.msk [tilespmem:v23+s17+$0x0], $0xffff  }
0x1ec: {  	v19 =	vld [tilespmem:s13+$0xFFFFFFE0];
	[tilespmem:s13+$0x10] =	vst v10  }
0x1ed: {  	v20 =	vld.idx.msk [tilespmem:v20+s16+$0x0], $0xffff  }
0x1ee: {  	v22 =	vor.u32 v1, v13;
	v15 =	vadd.f32 v4, v15;
	v4 =	vmov v24;
	v23 =	vld [tilespmem:s9+$0x0]  }
0x1ef: {  	v24 =	vor.u32 v3, v5;
	v5 =	vmov v13;
	v10 =	vld [tilespmem:s9+$0x10]  }
0x1f0: {  	v13 =	vld.idx.msk [tilespmem:v16+s16+$0x0], $0xffff;
	v16 =	vadd.f32 v18, v17;
	[tilespmem:s12+$0x30] =	vst v15;
	s12 =	smov.u32 s13;
	s13 =	smov.u32 s9  }
0x1f1: {  	v14 =	vadd.f32 v19, v14;
	v25 =	vld.idx.msk [tilespmem:v9+s17+$0x0], $0xffff;
	v9 =	vmov v11  }
0x1f2: {  	[tilespmem:s9+$0xFFFFFFC0] =	vst v16;
	v17 =	vld [tilespmem:s9+$0xFFFFFFD0]  }
.Ltmp4:
0x1f3: {  	v15 =	vshll.u32 v20, $0x6;
	v18 =	vld.idx.msk [tilespmem:v22+s17+$0x0], $0xffff;
	v19 =	vadd.f32 v23, v21;
	[tilespmem:s12+$0xFFFFFFE0] =	vst v14;
	(pc) =	sbr.rel @p0 .LBB2_11-.Ltmp4, $4  }
0x1f4: {  	v21 =	vor.u32 v0, v15;
	v20 =	vor.u32 v1, v15;
	v11 =	vor.u32 v2, v15;
	v14 =	vld.idx.msk [tilespmem:v24+s17+$0x0], $0xffff  }
0x1f5: {  	v16 =	vor.u32 v3, v15;
	[tilespmem:s9+$0x0] =	vst v19;
	v15 =	vld [tilespmem:s12+$0xFFFFFFF0]  }
0x1f6: {  	v13 =	vshll.u32 v13, $0x6;
	v19 =	vld.idx.msk [tilespmem:v12+s17+$0x0], $0xffff;
	v12 =	vmov v20  }
0x1f7: {  	v22 =	vor.u32 v0, v13;
	v20 =	vadd.f32 v8, v25;
	v8 =	vld [tilespmem:s9+$0x20]  }
0x1f8: {  	_ =	sdelay $0x3  }
0x1f9: {  	s14 =	sadd.s32 $0x80, s9;
	v22 =	vld.idx.msk [tilespmem:v22+s17+$0x0], $0xffff  }
0x1fa: {  	v23 =	vld [tilespmem:s14+$0xFFFFFFC0];
	_ =	sdelay $0x1  }
0x1fb: {  	v21 =	vld.idx.msk [tilespmem:v21+s17+$0x0], $0xffff  }
0x1fc: {  	v24 =	vor.u32 v1, v13;
	v25 =	vld [tilespmem:s14+$0x0];
	_ =	sdelay $0x1  }
0x1fd: {  	v22 =	vadd.f32 v23, v22;
	_ =	sdelay $0x1  }
0x1fe: {  	[tilespmem:s14+$0xFFFFFFC0] =	vst v22;
	v22 =	vld [tilespmem:s14+$0xFFFFFFD0]  }
0x1ff: {  	v23 =	vor.u32 v2, v5;
	v21 =	vadd.f32 v25, v21;
	v24 =	vld.idx.msk [tilespmem:v24+s17+$0x0], $0xffff  }
0x200: {  	v63 =	vld [tilespmem:s9+$0x30];
	v17 =	vadd.f32 v17, v18  }
0x201: {  	v18 =	vld [tilespmem:s14+$0x10];
	[tilespmem:s14+$0x0] =	vst v21  }
0x202: {  	[tilespmem:s13+$0xFFFFFFD0] =	vst v17;
	v17 =	vor.u32 v2, v13;
	v10 =	vadd.f32 v10, v19;
	v12 =	vld.idx.msk [tilespmem:v12+s17+$0x0], $0xffff  }
0x203: {  	v21 =	vld [tilespmem:s13+$0xFFFFFFE0]  }
0x204: {  	[tilespmem:s13+$0x10] =	vst v10;
	v19 =	vld.idx.msk [tilespmem:v23+s17+$0x0], $0xffff;
	v22 =	vadd.f32 v22, v24  }
0x205: {  	v9 =	vld.idx.msk [tilespmem:v9+s17+$0x0], $0xffff  }
0x206: {  	[tilespmem:s14+$0xFFFFFFD0] =	vst v22  }
0x207: {  	v10 =	vadd.f32 v18, v12;
	v12 =	vld.idx.msk [tilespmem:v17+s17+$0x0], $0xffff  }
0x208: {  	v17 =	vld [tilespmem:s14+$0xFFFFFFE0]  }
0x209: {  	v18 =	vadd.f32 v21, v19;
	v19 =	vld [tilespmem:s14+$0x20];
	[tilespmem:s14+$0x10] =	vst v10  }
0x20a: {  	[tilespmem:s12+$0x20] =	vst v20;
	v5 =	vor.u32 v3, v5;
	v8 =	vadd.f32 v8, v9;
	v10 =	vld.idx.msk [tilespmem:v11+s17+$0x0], $0xffff  }
0x20b: {  	v7 =	vld.idx.msk [tilespmem:v7+s17+$0x0], $0xffff;
	v11 =	vor.u32 v3, v13  }
0x20c: {  	v9 =	vld [tilespmem:s13+$0xFFFFFFF0];
	[tilespmem:s13+$0x20] =	vst v8  }
0x20d: {  	v6 =	vld.idx.msk [tilespmem:v6+s17+$0x0], $0xffff;
	v12 =	vadd.f32 v17, v12  }
0x20e: {  	v13 =	vld [tilespmem:s14+$0x30];
	[tilespmem:s13+$0xFFFFFFE0] =	vst v18  }
0x20f: {  	v5 =	vld.idx.msk [tilespmem:v5+s17+$0x0], $0xffff;
	v8 =	vadd.f32 v19, v10;
	[tilespmem:s14+$0xFFFFFFE0] =	vst v12  }
0x210: {  	v10 =	vld.idx.msk [tilespmem:v11+s17+$0x0], $0xffff  }
0x211: {  	v4 =	vadd.f32 v4, v7;
	[tilespmem:s14+$0x20] =	vst v8;
	v11 =	vld [tilespmem:s14+$0xFFFFFFF0]  }
0x212: {  	v12 =	vld.idx.msk [tilespmem:v16+s17+$0x0], $0xffff  }
0x213: {  	[tilespmem:s12+$0x30] =	vst v4;
	v4 =	vadd.f32 v63, v6  }
0x214: {  	v5 =	vadd.f32 v9, v5  }
0x215: {  	[tilespmem:s13+$0x30] =	vst v4;
	v8 =	vadd.f32 v15, v14  }
0x216: {  	s8 =	sadd.s32 s4, s8;
	[tilespmem:s13+$0xFFFFFFF0] =	vst v5;
	v5 =	vadd.f32 v11, v10  }
0x217: {  	s8 =	sshll.u32 s8, $0x3;
	[tilespmem:s12+$0xFFFFFFF0] =	vst v8;
	v4 =	vadd.f32 v13, v12  }
0x218: {  	s19 =	sadd.s32 $0xFFFFFFFE, s24;
	s8 =	sand.u32 $0x1FFFF000, s8;
	[tilespmem:s14+$0xFFFFFFF0] =	vst v5  }
0x219: {  	s15 =	simm.s32 $0xFA00;
	s21 =	sadd.s32 $0x282, s19;
	s8 =	sadd.s32 s2, s8;
	[tilespmem:s14+$0x30] =	vst v4  }
0x21a: {  	v4 =	vmov s21;
	[hbm4b:s8+s3] =	stream.linear.scatter [tilespmem:s15], [sflag:$0x5], $0x2000, $0x38;
	[tilespmem:$0x17A00] =	vst v63  }
0x21b: {  	v4 =	vand.u32 $0xFFFFFFFE, v4;
	_ =	swait.ge [sflag:s0], $0x2000  }
0x21c: {  	v4 =	vbroadcast v4, $0x0;
	[sflag:s0] =	ssyncset.done $0x0  }
0x21d: {  	s9 =	sadd.s32 $0x283, s19;
	s12 =	sadd.s32 $0x380, s11;
	[sflag:s0] =	ssyncadd.s32 $0xFFFFE000  }
0x21e: {  	[tilespmem:s25], [sflag:$0x4] =	stream.indirect.gather [hbm4b:s6+s18], $0x40, s12, s18, $0xb8;
	[tilespmem:$0x17A00] =	vst v63  }
0x21f: {  	v5 =	vmov s9;
	_ =	swait.ge [sflag:s26], $0x2000  }
0x220: {  	[sflag:s26] =	ssyncset.done $0x0  }
0x221: {  	[sflag:s26] =	ssyncadd.s32 $0xFFFFE000  }
0x222: {  	v4 =	vld.idx.msk [tilespmem:v4+s16+$0x0], $0xffff;
	_ =	sdelay $0x1  }
0x223: {  	v5 =	vld.idx.msk [tilespmem:v5+s16+$0x0], $0xffff;
	_ =	sdelay $0x2  }
0x224: {  	s13 =	sadd.s32 $0x0, s24;
	v6 =	vshll.u32 v4, $0x6  }
0x225: {  	s14 =	sadd.s32 $0x282, s13;
	v4 =	vor.u32 v0, v6  }
0x226: {  	v8 =	vmov s14;
	v7 =	vshll.u32 v5, $0x6  }
0x227: {  	s8 =	sadd.s32 $0x283, s13;
	v8 =	vand.u32 $0xFFFFFFFE, v8;
	v5 =	vor.u32 v0, v7  }
0x228: {  	v9 =	vmov s8;
	s8 =	simm.s32 $0x11A40;
	v8 =	vbroadcast v8, $0x0  }
0x229: {  	v10 =	vld [tilespmem:s8+$0xFFFFFFC0]  }
0x22a: {  	v4 =	vld.idx.msk [tilespmem:v4+s17+$0x0], $0xffff  }
0x22b: {  	v11 =	vld [tilespmem:s8+$0x0]  }
0x22c: {  	v5 =	vld.idx.msk [tilespmem:v5+s17+$0x0], $0xffff  }
0x22d: {  	v9 =	vld.idx.msk [tilespmem:v9+s16+$0x0], $0xffff;
	v12 =	vor.u32 v1, v6  }
0x22e: {  	v8 =	vld.idx.msk [tilespmem:v8+s16+$0x0], $0xffff  }
0x22f: {  	v4 =	vadd.f32 v10, v4;
	v10 =	vor.u32 v1, v7  }
0x230: {  	s19 =	sadd.s32 $0x2, s24;
	v13 =	vld [tilespmem:s8+$0x10]  }
0x231: {  	s9 =	sadd.s32 $0x283, s19;
	v14 =	vld [tilespmem:s8+$0xFFFFFFD0];
	[tilespmem:s8+$0xFFFFFFC0] =	vst v4;
	v4 =	vadd.f32 v11, v5  }
0x232: {  	v16 =	vmov s9;
	v15 =	vshll.u32 v9, $0x6;
	v9 =	vld.idx.msk [tilespmem:v12+s17+$0x0], $0xffff  }
0x233: {  	v20 =	vld [tilespmem:s8+$0x20];
	v5 =	vshll.u32 v8, $0x6;
	[tilespmem:s8+$0x0] =	vst v4  }
0x234: {  	s9 =	simm.s32 $0x11AC0;
	v8 =	vld.idx.msk [tilespmem:v10+s17+$0x0], $0xffff;
	v10 =	vor.u32 v0, v5  }
0x235: {  	v17 =	vld [tilespmem:s9+$0xFFFFFFC0];
	v12 =	vor.u32 v2, v6  }
0x236: {  	s21 =	sadd.s32 $0x282, s19;
	v19 =	vld [tilespmem:s8+$0xFFFFFFE0]  }
0x237: {  	v16 =	vld.idx.msk [tilespmem:v16+s16+$0x0], $0xffff;
	v11 =	vor.u32 v0, v15;
	v9 =	vadd.f32 v14, v9;
	v14 =	vmov s21  }
0x238: {  	v21 =	vld [tilespmem:s9+$0x0];
	v14 =	vand.u32 $0xFFFFFFFE, v14  }
0x239: {  	v18 =	vor.u32 v2, v7;
	[tilespmem:s8+$0xFFFFFFD0] =	vst v9;
	v9 =	vbroadcast v14, $0x0;
	v14 =	vld.idx.msk [tilespmem:v10+s17+$0x0], $0xffff  }
0x23a: {  	v12 =	vld.idx.msk [tilespmem:v12+s17+$0x0], $0xffff  }
0x23b: {  	v4 =	vld [tilespmem:s8+$0x30];
	v8 =	vadd.f32 v13, v8  }
0x23c: {  	v11 =	vld.idx.msk [tilespmem:v11+s17+$0x0], $0xffff;
	v13 =	vor.u32 v1, v5  }
0x23d: {  	v6 =	vor.u32 v3, v6;
	v10 =	vld [tilespmem:s9+$0x10];
	[tilespmem:s8+$0x10] =	vst v8  }
0x23e: {  	v23 =	vld.idx.msk [tilespmem:v18+s17+$0x0], $0xffff;
	v14 =	vadd.f32 v17, v14  }
0x23f: {  	v22 =	vor.u32 v1, v15;
	v8 =	vld.idx.msk [tilespmem:v9+s16+$0x0], $0xffff;
	v9 =	vadd.f32 v19, v12  }
0x240: {  	v17 =	vld [tilespmem:s9+$0xFFFFFFD0];
	[tilespmem:s9+$0xFFFFFFC0] =	vst v14  }
0x241: {  	v16 =	vshll.u32 v16, $0x6;
	v11 =	vadd.f32 v21, v11;
	v18 =	vld.idx.msk [tilespmem:v13+s17+$0x0], $0xffff;
	[tilespmem:s8+$0xFFFFFFE0] =	vst v9  }
0x242: {  	v21 =	vor.u32 v0, v16;
	v14 =	vld.idx.msk [tilespmem:v6+s17+$0x0], $0xffff  }
0x243: {  	v7 =	vor.u32 v3, v7;
	[tilespmem:s9+$0x0] =	vst v11;
	v9 =	vor.u32 v2, v15;
	v6 =	vor.u32 v3, v15;
	v15 =	vld [tilespmem:s8+$0xFFFFFFF0]  }
0x244: {  	v11 =	vor.u32 v2, v16;
	v12 =	vor.u32 v1, v16;
	v19 =	vld.idx.msk [tilespmem:v22+s17+$0x0], $0xffff;
	v13 =	vshll.u32 v8, $0x6  }
0x245: {  	s11 =	simm.s32 $0x11AC0;
	s12 =	simm.s32 $0x4;
	v16 =	vor.u32 v3, v16;
	v20 =	vadd.f32 v20, v23;
	v8 =	vld [tilespmem:s9+$0x20];
	v22 =	vor.u32 v0, v13  }
.LBB2_13:
0x246: {  	s13 =	sadd.s32 s12, s24;
	v23 =	vor.u32 v2, v5;
	v24 =	vld [tilespmem:s9+$0x30]  }
0x247: {  	s12 =	sadd.s32 $0x2, s12;
	v17 =	vadd.f32 v17, v18;
	s14 =	sadd.s32 $0x282, s13;
	s13 =	sadd.s32 $0x283, s13;
	v21 =	vld.idx.msk [tilespmem:v21+s17+$0x0], $0xffff;
	[tilespmem:s8+$0x20] =	vst v20  }
0x248: {  	s9 =	sadd.s32 $0x80, s9;
	p0 =	slt.u32 s12, $0x7E;
	v18 =	vmov s14;
	v20 =	vmov s13;
	v14 =	vadd.f32 v15, v14;
	v15 =	vld.idx.msk [tilespmem:v7+s17+$0x0], $0xffff;
	v7 =	vmovc v6;
	v6 =	vmovc v16  }
0x249: {  	v16 =	vand.u32 $0xFFFFFFFE, v18;
	v18 =	vld [tilespmem:s9+$0xFFFFFFC0];
	[tilespmem:s11+$0xFFFFFFD0] =	vst v17  }
0x24a: {  	v10 =	vadd.f32 v10, v19;
	v16 =	vbroadcast v16, $0x0;
	v17 =	vld.idx.msk [tilespmem:v22+s17+$0x0], $0xffff;
	[tilespmem:s8+$0xFFFFFFF0] =	vst v14  }
0x24b: {  	v14 =	vld.idx.msk [tilespmem:v23+s17+$0x0], $0xffff  }
0x24c: {  	v19 =	vld [tilespmem:s11+$0xFFFFFFE0];
	[tilespmem:s11+$0x10] =	vst v10  }
0x24d: {  	v20 =	vld.idx.msk [tilespmem:v20+s16+$0x0], $0xffff  }
0x24e: {  	v22 =	vor.u32 v1, v13;
	v15 =	vadd.f32 v4, v15;
	v4 =	vmov v24;
	v23 =	vld [tilespmem:s9+$0x0]  }
0x24f: {  	v24 =	vor.u32 v3, v5;
	v5 =	vmov v13;
	v10 =	vld [tilespmem:s9+$0x10]  }
0x250: {  	v13 =	vld.idx.msk [tilespmem:v16+s16+$0x0], $0xffff;
	v16 =	vadd.f32 v18, v17;
	[tilespmem:s8+$0x30] =	vst v15;
	s8 =	smov.u32 s11;
	s11 =	smov.u32 s9  }
0x251: {  	v14 =	vadd.f32 v19, v14;
	v25 =	vld.idx.msk [tilespmem:v9+s17+$0x0], $0xffff;
	v9 =	vmov v11  }
0x252: {  	[tilespmem:s9+$0xFFFFFFC0] =	vst v16;
	v17 =	vld [tilespmem:s9+$0xFFFFFFD0]  }
.Ltmp5:
0x253: {  	v15 =	vshll.u32 v20, $0x6;
	v18 =	vld.idx.msk [tilespmem:v22+s17+$0x0], $0xffff;
	v19 =	vadd.f32 v23, v21;
	[tilespmem:s8+$0xFFFFFFE0] =	vst v14;
	(pc) =	sbr.rel @p0 .LBB2_13-.Ltmp5, $4  }
0x254: {  	v21 =	vor.u32 v0, v15;
	v20 =	vor.u32 v1, v15;
	v11 =	vor.u32 v2, v15;
	v14 =	vld.idx.msk [tilespmem:v24+s17+$0x0], $0xffff  }
0x255: {  	v16 =	vor.u32 v3, v15;
	[tilespmem:s9+$0x0] =	vst v19;
	v15 =	vld [tilespmem:s8+$0xFFFFFFF0]  }
0x256: {  	v13 =	vshll.u32 v13, $0x6;
	v19 =	vld.idx.msk [tilespmem:v12+s17+$0x0], $0xffff;
	v12 =	vmov v20  }
0x257: {  	v22 =	vor.u32 v0, v13;
	v20 =	vadd.f32 v8, v25;
	v8 =	vld [tilespmem:s9+$0x20]  }
0x258: {  	_ =	sdelay $0x3  }
0x259: {  	v22 =	vld.idx.msk [tilespmem:v22+s17+$0x0], $0xffff  }
0x25a: {  	s12 =	sadd.s32 $0x80, s9;
	v21 =	vld.idx.msk [tilespmem:v21+s17+$0x0], $0xffff  }
0x25b: {  	v23 =	vld [tilespmem:s12+$0xFFFFFFC0]  }
0x25c: {  	v25 =	vld [tilespmem:s12+$0x0];
	_ =	sdelay $0x1  }
0x25d: {  	v24 =	vor.u32 v1, v13;
	_ =	sdelay $0x1  }
0x25e: {  	v22 =	vadd.f32 v23, v22  }
0x25f: {  	v45 =	vld [tilespmem:s12+$0xFFFFFFD0];
	v21 =	vadd.f32 v25, v21  }
0x260: {  	v47 =	vld [tilespmem:s12+$0x10];
	[tilespmem:s12+$0xFFFFFFC0] =	vst v22  }
0x261: {  	[tilespmem:s12+$0x0] =	vst v21;
	v24 =	vld.idx.msk [tilespmem:v24+s17+$0x0], $0xffff  }
0x262: {  	v44 =	vor.u32 v2, v5;
	v12 =	vld.idx.msk [tilespmem:v12+s17+$0x0], $0xffff  }
0x263: {  	v46 =	vld [tilespmem:s9+$0x30]  }
0x264: {  	v17 =	vadd.f32 v17, v18;
	v48 =	vor.u32 v2, v13;
	v50 =	vld [tilespmem:s11+$0xFFFFFFE0]  }
0x265: {  	v53 =	vld [tilespmem:s12+$0xFFFFFFE0];
	v10 =	vadd.f32 v10, v19  }
0x266: {  	v55 =	vld [tilespmem:s12+$0x20];
	[tilespmem:s11+$0xFFFFFFD0] =	vst v17;
	v22 =	vadd.f32 v45, v24  }
0x267: {  	v49 =	vld.idx.msk [tilespmem:v44+s17+$0x0], $0xffff;
	[tilespmem:s11+$0x10] =	vst v10;
	v51 =	vadd.f32 v47, v12  }
0x268: {  	v9 =	vld.idx.msk [tilespmem:v9+s17+$0x0], $0xffff;
	[tilespmem:s12+$0xFFFFFFD0] =	vst v22  }
0x269: {  	[tilespmem:s12+$0x10] =	vst v51;
	v52 =	vld.idx.msk [tilespmem:v48+s17+$0x0], $0xffff  }
0x26a: {  	v5 =	vor.u32 v3, v5;
	v10 =	vld.idx.msk [tilespmem:v11+s17+$0x0], $0xffff  }
0x26b: {  	v57 =	vld [tilespmem:s11+$0xFFFFFFF0]  }
0x26c: {  	v56 =	vor.u32 v3, v13;
	v58 =	vld [tilespmem:s12+$0x30];
	v54 =	vadd.f32 v50, v49  }
0x26d: {  	[tilespmem:s8+$0x20] =	vst v20;
	v61 =	vld [tilespmem:s12+$0xFFFFFFF0];
	v8 =	vadd.f32 v8, v9  }
0x26e: {  	v7 =	vld.idx.msk [tilespmem:v7+s17+$0x0], $0xffff;
	[tilespmem:s11+$0xFFFFFFE0] =	vst v54;
	v12 =	vadd.f32 v53, v52  }
0x26f: {  	v5 =	vld.idx.msk [tilespmem:v5+s17+$0x0], $0xffff;
	[tilespmem:s11+$0x20] =	vst v8;
	v59 =	vadd.f32 v55, v10  }
0x270: {  	v6 =	vld.idx.msk [tilespmem:v6+s17+$0x0], $0xffff;
	[tilespmem:s12+$0xFFFFFFE0] =	vst v12  }
0x271: {  	[tilespmem:s12+$0x20] =	vst v59;
	v60 =	vld.idx.msk [tilespmem:v56+s17+$0x0], $0xffff  }
0x272: {  	v62 =	vadd.f32 v15, v14;
	v63 =	vld.idx.msk [tilespmem:v16+s17+$0x0], $0xffff  }
0x273: {  	v4 =	vadd.f32 v4, v7  }
0x274: {  	s7 =	sadd.s32 $0x1, s7;
	[tilespmem:s8+$0xFFFFFFF0] =	vst v62;
	v5 =	vadd.f32 v57, v5  }
0x275: {  	p0 =	sne.s32 s7, $0x31;
	[tilespmem:s8+$0x30] =	vst v4;
	v4 =	vadd.f32 v46, v6  }
.Ltmp6:
0x276: {  	s21 =	sadd.s32 s4, s10;
	[tilespmem:s11+$0xFFFFFFF0] =	vst v5;
	v5 =	vadd.f32 v61, v60;
	(pc) =	sbr.rel @p0 .LBB2_6-.Ltmp6, $4  }
0x277: {  	s8 =	sshll.u32 s21, $0x3;
	[tilespmem:s11+$0x30] =	vst v4;
	v4 =	vadd.f32 v58, v63  }
0x278: {  	s8 =	sand.u32 $0x1FFFF400, s8;
	[tilespmem:s12+$0xFFFFFFF0] =	vst v5  }
0x279: {  	s24 =	sadd.s32 $0x200, s24;
	s8 =	sadd.s32 s2, s8;
	[tilespmem:s12+$0x30] =	vst v4  }
0x27a: {  	[hbm4b:s8+s3] =	stream.linear.scatter [tilespmem:s20], [sflag:$0x6], $0x2000, $0x38;
	[tilespmem:$0x17A00] =	vst v63  }
0x27b: {  	s7 =	simm.s32 $0x6300  }
0x27c: {  	v4 =	vmov s7  }
0x27d: {  	v4 =	vand.u32 $0xFFFFFFFE, v4  }
0x27e: {  	_ =	swait.ge [sflag:s28], $0x2000;
	v4 =	vbroadcast v4, $0x0  }
0x27f: {  	[sflag:s28] =	ssyncset.done $0x0  }
0x280: {  	[sflag:s28] =	ssyncadd.s32 $0xFFFFE000  }
0x281: {  	s14 =	simm.s32 $0x6301;
	_ =	swait.ge [sflag:s29], $0x2000  }
0x282: {  	v5 =	vmov s14;
	[sflag:s29] =	ssyncset.done $0x0  }
0x283: {  	[sflag:s29] =	ssyncadd.s32 $0xFFFFE000  }
0x284: {  	v4 =	vld.idx.msk [tilespmem:v4+s16+$0x0], $0xffff  }
0x285: {  	s21 =	simm.s32 $0x6302  }
0x286: {  	v8 =	vmov s21  }
0x287: {  	v8 =	vand.u32 $0xFFFFFFFE, v8;
	v5 =	vld.idx.msk [tilespmem:v5+s16+$0x0], $0xffff  }
0x288: {  	v8 =	vbroadcast v8, $0x0  }
0x289: {  	v11 =	vshll.u32 v4, $0x6  }
0x28a: {  	s19 =	simm.s32 $0x6303;
	v4 =	vor.u32 v0, v11  }
0x28b: {  	v6 =	vmov s19  }
0x28c: {  	s7 =	simm.s32 $0x13A40;
	v5 =	vshll.u32 v5, $0x6  }
0x28d: {  	v9 =	vld [tilespmem:s7+$0xFFFFFFC0];
	v7 =	vor.u32 v0, v5  }
0x28e: {  	v8 =	vld.idx.msk [tilespmem:v8+s16+$0x0], $0xffff  }
0x28f: {  	v4 =	vld.idx.msk [tilespmem:v4+s17+$0x0], $0xffff  }
0x290: {  	v6 =	vld.idx.msk [tilespmem:v6+s16+$0x0], $0xffff  }
0x291: {  	v12 =	vld [tilespmem:s7+$0x0]  }
0x292: {  	v13 =	vor.u32 v1, v11;
	v10 =	vld.idx.msk [tilespmem:v7+s17+$0x0], $0xffff  }
0x293: {  	v8 =	vshll.u32 v8, $0x6  }
0x294: {  	v16 =	vor.u32 v0, v8;
	v4 =	vadd.f32 v9, v4  }
0x295: {  	v15 =	vld [tilespmem:s7+$0xFFFFFFD0]  }
0x296: {  	v20 =	vld [tilespmem:s7+$0xFFFFFFE0];
	v6 =	vshll.u32 v6, $0x6;
	v14 =	vor.u32 v1, v5;
	[tilespmem:s7+$0xFFFFFFC0] =	vst v4  }
0x297: {  	s9 =	simm.s32 $0x13AC0;
	v4 =	vadd.f32 v12, v10;
	v12 =	vld.idx.msk [tilespmem:v13+s17+$0x0], $0xffff;
	v13 =	vor.u32 v0, v6  }
0x298: {  	v21 =	vld [tilespmem:s9+$0x0]  }
0x299: {  	v16 =	vld.idx.msk [tilespmem:v16+s17+$0x0], $0xffff  }
0x29a: {  	v9 =	vld [tilespmem:s7+$0x10];
	[tilespmem:s7+$0x0] =	vst v4  }
0x29b: {  	s8 =	simm.s32 $0x6305;
	s24 =	simm.s32 $0x6304;
	v17 =	vor.u32 v2, v11;
	v14 =	vld.idx.msk [tilespmem:v14+s17+$0x0], $0xffff  }
0x29c: {  	v10 =	vmov s8;
	v12 =	vadd.f32 v15, v12;
	v15 =	vmov s24;
	v18 =	vld.idx.msk [tilespmem:v13+s17+$0x0], $0xffff  }
0x29d: {  	v13 =	vand.u32 $0xFFFFFFFE, v15;
	v15 =	vld [tilespmem:s9+$0xFFFFFFC0]  }
0x29e: {  	v7 =	vld [tilespmem:s7+$0x20]  }
0x29f: {  	v4 =	vld [tilespmem:s7+$0x30];
	[tilespmem:s7+$0xFFFFFFD0] =	vst v12;
	v13 =	vbroadcast v13, $0x0;
	v12 =	vor.u32 v2, v5  }
0x2a0: {  	v19 =	vld.idx.msk [tilespmem:v17+s17+$0x0], $0xffff  }
0x2a1: {  	v10 =	vld.idx.msk [tilespmem:v10+s16+$0x0], $0xffff;
	v9 =	vadd.f32 v9, v14  }
0x2a2: {  	v14 =	vor.u32 v3, v11;
	v11 =	vld [tilespmem:s9+$0x20];
	v15 =	vadd.f32 v15, v16;
	v16 =	vor.u32 v1, v8  }
0x2a3: {  	[tilespmem:s7+$0x10] =	vst v9;
	v9 =	vld [tilespmem:s9+$0x10]  }
0x2a4: {  	v12 =	vld.idx.msk [tilespmem:v12+s17+$0x0], $0xffff  }
0x2a5: {  	v17 =	vld.idx.msk [tilespmem:v13+s16+$0x0], $0xffff;
	[tilespmem:s9+$0xFFFFFFC0] =	vst v15;
	v15 =	vor.u32 v1, v6;
	v19 =	vadd.f32 v20, v19  }
0x2a6: {  	s10 =	simm.s32 $0x4;
	s8 =	simm.s32 $0x13AC0;
	v18 =	vadd.f32 v21, v18;
	v13 =	vld [tilespmem:s9+$0xFFFFFFD0]  }
.LBB2_16:
0x2a7: {  	s11 =	sadd.s32 $0x6303, s10;
	v16 =	vld.idx.msk [tilespmem:v16+s17+$0x0], $0xffff;
	[tilespmem:s7+$0xFFFFFFE0] =	vst v19;
	v19 =	vor.u32 v3, v5;
	v5 =	vmov v6  }
0x2a8: {  	v6 =	vshll.u32 v10, $0x6;
	v20 =	vmov s11;
	[tilespmem:s9+$0x0] =	vst v18;
	v14 =	vld.idx.msk [tilespmem:v14+s17+$0x0], $0xffff  }
0x2a9: {  	v18 =	vor.u32 v0, v6;
	v10 =	vadd.f32 v7, v12;
	v21 =	vld [tilespmem:s7+$0xFFFFFFF0]  }
0x2aa: {  	v17 =	vshll.u32 v17, $0x6;
	v12 =	vld.idx.msk [tilespmem:v15+s17+$0x0], $0xffff;
	v7 =	vmov v11  }
0x2ab: {  	v11 =	vor.u32 v0, v17;
	v15 =	vld [tilespmem:s9+$0x30];
	[tilespmem:s7+$0x20] =	vst v10  }
0x2ac: {  	v22 =	vor.u32 v2, v8;
	v19 =	vld.idx.msk [tilespmem:v19+s17+$0x0], $0xffff  }
0x2ad: {  	s11 =	sadd.s32 $0x6302, s10;
	v13 =	vadd.f32 v13, v16;
	v10 =	vld.idx.msk [tilespmem:v20+s16+$0x0], $0xffff  }
0x2ae: {  	s10 =	sadd.s32 $0x2, s10;
	s9 =	sadd.s32 $0x80, s9;
	v16 =	vmov s11;
	v18 =	vld.idx.msk [tilespmem:v18+s17+$0x0], $0xffff;
	v14 =	vadd.f32 v21, v14  }
0x2af: {  	p0 =	slt.u32 s10, $0x7E;
	v16 =	vand.u32 $0xFFFFFFFE, v16;
	v20 =	vld [tilespmem:s9+$0xFFFFFFC0];
	[tilespmem:s8+$0xFFFFFFD0] =	vst v13  }
0x2b0: {  	v13 =	vbroadcast v16, $0x0;
	v9 =	vadd.f32 v9, v12;
	v12 =	vor.u32 v2, v5;
	v11 =	vld.idx.msk [tilespmem:v11+s17+$0x0], $0xffff;
	[tilespmem:s7+$0xFFFFFFF0] =	vst v14  }
0x2b1: {  	v21 =	vld.idx.msk [tilespmem:v22+s17+$0x0], $0xffff  }
0x2b2: {  	v14 =	vadd.f32 v4, v19;
	v4 =	vmov v15;
	v22 =	vld [tilespmem:s8+$0xFFFFFFE0];
	[tilespmem:s8+$0x10] =	vst v9  }
0x2b3: {  	v23 =	vld [tilespmem:s9+$0x0]  }
.Ltmp7:
0x2b4: {  	v16 =	vor.u32 v1, v17;
	v9 =	vld [tilespmem:s9+$0x10];
	[tilespmem:s7+$0x30] =	vst v14;
	s7 =	smov.u32 s8;
	s8 =	smov.u32 s9;
	(pc) =	sbr.rel @p0 .LBB2_16-.Ltmp7, $4  }
0x2b5: {  	v14 =	vor.u32 v3, v8;
	v8 =	vmov v17;
	v12 =	vld.idx.msk [tilespmem:v12+s17+$0x0], $0xffff  }
0x2b6: {  	v17 =	vld.idx.msk [tilespmem:v13+s16+$0x0], $0xffff;
	v13 =	vadd.f32 v20, v11  }
0x2b7: {  	v15 =	vor.u32 v1, v6;
	v11 =	vld [tilespmem:s9+$0x20];
	v19 =	vadd.f32 v22, v21  }
0x2b8: {  	[tilespmem:s9+$0xFFFFFFC0] =	vst v13;
	v13 =	vld [tilespmem:s9+$0xFFFFFFD0];
	v18 =	vadd.f32 v23, v18  }
0x2b9: {  	v10 =	vshll.u32 v10, $0x6  }
0x2ba: {  	v21 =	vor.u32 v0, v10  }
0x2bb: {  	v17 =	vshll.u32 v17, $0x6  }
0x2bc: {  	v20 =	vor.u32 v0, v17  }
0x2bd: {  	s10 =	sadd.s32 $0x80, s9;
	v16 =	vld.idx.msk [tilespmem:v16+s17+$0x0], $0xffff  }
0x2be: {  	v23 =	vld [tilespmem:s10+$0x0]  }
0x2bf: {  	v21 =	vld.idx.msk [tilespmem:v21+s17+$0x0], $0xffff  }
0x2c0: {  	v22 =	vld [tilespmem:s10+$0xFFFFFFC0]  }
0x2c1: {  	v20 =	vld.idx.msk [tilespmem:v20+s17+$0x0], $0xffff  }
0x2c2: {  	[tilespmem:s7+$0xFFFFFFE0] =	vst v19;
	v19 =	vor.u32 v1, v10  }
0x2c3: {  	[tilespmem:s9+$0x0] =	vst v18  }
0x2c4: {  	v15 =	vld.idx.msk [tilespmem:v15+s17+$0x0], $0xffff;
	v24 =	vor.u32 v1, v17;
	v21 =	vadd.f32 v23, v21  }
0x2c5: {  	v60 =	vld [tilespmem:s9+$0x30];
	v13 =	vadd.f32 v13, v16  }
0x2c6: {  	v61 =	vld [tilespmem:s10+$0x10];
	v18 =	vadd.f32 v22, v20;
	[tilespmem:s10+$0x0] =	vst v21  }
0x2c7: {  	[tilespmem:s8+$0xFFFFFFD0] =	vst v13;
	v13 =	vld.idx.msk [tilespmem:v19+s17+$0x0], $0xffff  }
0x2c8: {  	v16 =	vor.u32 v2, v6;
	[tilespmem:s10+$0xFFFFFFC0] =	vst v18;
	v18 =	vld [tilespmem:s10+$0xFFFFFFD0]  }
0x2c9: {  	v9 =	vadd.f32 v9, v15;
	v20 =	vor.u32 v2, v8;
	v59 =	vld.idx.msk [tilespmem:v24+s17+$0x0], $0xffff  }
0x2ca: {  	v62 =	vld [tilespmem:s7+$0xFFFFFFF0]  }
0x2cb: {  	v14 =	vld.idx.msk [tilespmem:v14+s17+$0x0], $0xffff;
	[tilespmem:s8+$0x10] =	vst v9;
	v9 =	vor.u32 v2, v10  }
0x2cc: {  	v7 =	vadd.f32 v7, v12;
	v12 =	vld [tilespmem:s10+$0xFFFFFFE0];
	v19 =	vor.u32 v2, v17  }
0x2cd: {  	v16 =	vld.idx.msk [tilespmem:v16+s17+$0x0], $0xffff;
	v13 =	vadd.f32 v61, v13  }
0x2ce: {  	v5 =	vor.u32 v3, v5;
	[tilespmem:s7+$0x20] =	vst v7;
	v15 =	vld.idx.msk [tilespmem:v20+s17+$0x0], $0xffff;
	v18 =	vadd.f32 v18, v59  }
0x2cf: {  	v20 =	vld [tilespmem:s8+$0xFFFFFFE0];
	[tilespmem:s10+$0x10] =	vst v13  }
0x2d0: {  	v6 =	vor.u32 v3, v6;
	v7 =	vld.idx.msk [tilespmem:v9+s17+$0x0], $0xffff;
	[tilespmem:s10+$0xFFFFFFD0] =	vst v18  }
0x2d1: {  	v18 =	vld.idx.msk [tilespmem:v19+s17+$0x0], $0xffff  }
0x2d2: {  	v8 =	vor.u32 v3, v8;
	v11 =	vadd.f32 v11, v16;
	v19 =	vld [tilespmem:s10+$0x20]  }
0x2d3: {  	v5 =	vld.idx.msk [tilespmem:v5+s17+$0x0], $0xffff  }
0x2d4: {  	[tilespmem:s8+$0x20] =	vst v11;
	v11 =	vld [tilespmem:s10+$0xFFFFFFF0];
	v9 =	vor.u32 v3, v17;
	v15 =	vadd.f32 v20, v15  }
0x2d5: {  	v10 =	vor.u32 v3, v10;
	v6 =	vld.idx.msk [tilespmem:v6+s17+$0x0], $0xffff  }
0x2d6: {  	v13 =	vld [tilespmem:s8+$0xFFFFFFF0];
	[tilespmem:s8+$0xFFFFFFE0] =	vst v15;
	v12 =	vadd.f32 v12, v18  }
0x2d7: {  	v8 =	vld.idx.msk [tilespmem:v8+s17+$0x0], $0xffff;
	v7 =	vadd.f32 v19, v7  }
0x2d8: {  	v15 =	vld [tilespmem:s10+$0x30];
	[tilespmem:s10+$0xFFFFFFE0] =	vst v12  }
0x2d9: {  	v4 =	vadd.f32 v4, v5;
	[tilespmem:s10+$0x20] =	vst v7;
	v9 =	vld.idx.msk [tilespmem:v9+s17+$0x0], $0xffff  }
0x2da: {  	v10 =	vld.idx.msk [tilespmem:v10+s17+$0x0], $0xffff  }
0x2db: {  	[tilespmem:s7+$0x30] =	vst v4;
	v4 =	vadd.f32 v60, v6  }
0x2dc: {  	v5 =	vadd.f32 v13, v8  }
0x2dd: {  	[tilespmem:s8+$0x30] =	vst v4;
	v7 =	vadd.f32 v62, v14  }
0x2de: {  	[tilespmem:s8+$0xFFFFFFF0] =	vst v5;
	v5 =	vadd.f32 v11, v9  }
0x2df: {  	[tilespmem:s7+$0xFFFFFFF0] =	vst v7;
	v4 =	vadd.f32 v15, v10  }
0x2e0: {  	[tilespmem:s10+$0xFFFFFFF0] =	vst v5  }
0x2e1: {  	s11 =	simm.s32 $0x6380;
	[tilespmem:s10+$0x30] =	vst v4  }
0x2e2: {  	v4 =	vmov s11;
	s12 =	rddreg [dreg:$0x8]  }
0x2e3: {  	v4 =	vand.u32 $0xFFFFFFFE, v4;
	[hbm4b:s12+s3] =	stream.linear.scatter [tilespmem:s22], [sflag:$0x7], $0x2000, $0x38;
	[tilespmem:$0x17A00] =	vst v63  }
0x2e4: {  	v4 =	vbroadcast v4, $0x0;
	_ =	swait.ge [sflag:s30], $0x2000  }
0x2e5: {  	[sflag:s30] =	ssyncset.done $0x0  }
0x2e6: {  	[sflag:s30] =	ssyncadd.s32 $0xFFFFE000  }
0x2e7: {  	s13 =	simm.s32 $0x6381;
	_ =	swait.ge [sflag:s31], $0x2000  }
0x2e8: {  	v5 =	vmov s13;
	[sflag:s31] =	ssyncset.done $0x0  }
0x2e9: {  	[sflag:s31] =	ssyncadd.s32 $0xFFFFE000  }
0x2ea: {  	v4 =	vld.idx.msk [tilespmem:v4+s16+$0x0], $0xffff  }
0x2eb: {  	s19 =	simm.s32 $0x6382  }
0x2ec: {  	v8 =	vmov s19  }
0x2ed: {  	v8 =	vand.u32 $0xFFFFFFFE, v8;
	v5 =	vld.idx.msk [tilespmem:v5+s16+$0x0], $0xffff  }
0x2ee: {  	v8 =	vbroadcast v8, $0x0  }
0x2ef: {  	v11 =	vshll.u32 v4, $0x6  }
0x2f0: {  	s14 =	simm.s32 $0x6383;
	v4 =	vor.u32 v0, v11  }
0x2f1: {  	v6 =	vmov s14  }
0x2f2: {  	s7 =	simm.s32 $0x15A40;
	v5 =	vshll.u32 v5, $0x6  }
0x2f3: {  	v9 =	vld [tilespmem:s7+$0xFFFFFFC0];
	v7 =	vor.u32 v0, v5  }
0x2f4: {  	v8 =	vld.idx.msk [tilespmem:v8+s16+$0x0], $0xffff  }
0x2f5: {  	v4 =	vld.idx.msk [tilespmem:v4+s17+$0x0], $0xffff  }
0x2f6: {  	v6 =	vld.idx.msk [tilespmem:v6+s16+$0x0], $0xffff  }
0x2f7: {  	v12 =	vld [tilespmem:s7+$0x0]  }
0x2f8: {  	v13 =	vor.u32 v1, v11;
	v10 =	vld.idx.msk [tilespmem:v7+s17+$0x0], $0xffff  }
0x2f9: {  	v8 =	vshll.u32 v8, $0x6  }
0x2fa: {  	v16 =	vor.u32 v0, v8;
	v4 =	vadd.f32 v9, v4  }
0x2fb: {  	v15 =	vld [tilespmem:s7+$0xFFFFFFD0]  }
0x2fc: {  	v20 =	vld [tilespmem:s7+$0xFFFFFFE0];
	v6 =	vshll.u32 v6, $0x6;
	v14 =	vor.u32 v1, v5;
	[tilespmem:s7+$0xFFFFFFC0] =	vst v4  }
0x2fd: {  	s9 =	simm.s32 $0x15AC0;
	v4 =	vadd.f32 v12, v10;
	v12 =	vld.idx.msk [tilespmem:v13+s17+$0x0], $0xffff;
	v13 =	vor.u32 v0, v6  }
0x2fe: {  	v63 =	vld [tilespmem:s9+$0x0]  }
0x2ff: {  	v16 =	vld.idx.msk [tilespmem:v16+s17+$0x0], $0xffff  }
0x300: {  	v9 =	vld [tilespmem:s7+$0x10];
	[tilespmem:s7+$0x0] =	vst v4  }
0x301: {  	s21 =	simm.s32 $0x6385;
	s24 =	simm.s32 $0x6384;
	v17 =	vor.u32 v2, v11;
	v14 =	vld.idx.msk [tilespmem:v14+s17+$0x0], $0xffff  }
0x302: {  	v10 =	vmov s21;
	v12 =	vadd.f32 v15, v12;
	v15 =	vmov s24;
	v19 =	vld.idx.msk [tilespmem:v13+s17+$0x0], $0xffff  }
0x303: {  	v13 =	vand.u32 $0xFFFFFFFE, v15;
	v15 =	vld [tilespmem:s9+$0xFFFFFFC0]  }
0x304: {  	v7 =	vld [tilespmem:s7+$0x20]  }
0x305: {  	v4 =	vld [tilespmem:s7+$0x30];
	[tilespmem:s7+$0xFFFFFFD0] =	vst v12;
	v13 =	vbroadcast v13, $0x0;
	v12 =	vor.u32 v2, v5  }
0x306: {  	v18 =	vld.idx.msk [tilespmem:v17+s17+$0x0], $0xffff  }
0x307: {  	v10 =	vld.idx.msk [tilespmem:v10+s16+$0x0], $0xffff;
	v9 =	vadd.f32 v9, v14  }
0x308: {  	v14 =	vor.u32 v3, v11;
	v11 =	vld [tilespmem:s9+$0x20];
	v15 =	vadd.f32 v15, v16;
	v16 =	vor.u32 v1, v8  }
0x309: {  	[tilespmem:s7+$0x10] =	vst v9;
	v9 =	vld [tilespmem:s9+$0x10]  }
0x30a: {  	v12 =	vld.idx.msk [tilespmem:v12+s17+$0x0], $0xffff  }
0x30b: {  	v17 =	vld.idx.msk [tilespmem:v13+s16+$0x0], $0xffff;
	[tilespmem:s9+$0xFFFFFFC0] =	vst v15;
	v15 =	vor.u32 v1, v6;
	v18 =	vadd.f32 v20, v18  }
0x30c: {  	s8 =	simm.s32 $0x15AC0;
	s10 =	simm.s32 $0x4;
	v19 =	vadd.f32 v63, v19;
	v13 =	vld [tilespmem:s9+$0xFFFFFFD0]  }
.LBB2_18:
0x30d: {  	s11 =	sadd.s32 $0x6383, s10;
	v16 =	vld.idx.msk [tilespmem:v16+s17+$0x0], $0xffff;
	[tilespmem:s7+$0xFFFFFFE0] =	vst v18;
	v18 =	vor.u32 v3, v5;
	v5 =	vmov v6  }
0x30e: {  	v6 =	vshll.u32 v10, $0x6;
	v20 =	vmov s11;
	[tilespmem:s9+$0x0] =	vst v19;
	v14 =	vld.idx.msk [tilespmem:v14+s17+$0x0], $0xffff  }
0x30f: {  	v19 =	vor.u32 v0, v6;
	v10 =	vadd.f32 v7, v12;
	v21 =	vld [tilespmem:s7+$0xFFFFFFF0]  }
0x310: {  	v17 =	vshll.u32 v17, $0x6;
	v12 =	vld.idx.msk [tilespmem:v15+s17+$0x0], $0xffff;
	v7 =	vmov v11  }
0x311: {  	v11 =	vor.u32 v0, v17;
	v15 =	vld [tilespmem:s9+$0x30];
	[tilespmem:s7+$0x20] =	vst v10  }
0x312: {  	v22 =	vor.u32 v2, v8;
	v18 =	vld.idx.msk [tilespmem:v18+s17+$0x0], $0xffff  }
0x313: {  	s11 =	sadd.s32 $0x6382, s10;
	v13 =	vadd.f32 v13, v16;
	v10 =	vld.idx.msk [tilespmem:v20+s16+$0x0], $0xffff  }
0x314: {  	s10 =	sadd.s32 $0x2, s10;
	s9 =	sadd.s32 $0x80, s9;
	v16 =	vmov s11;
	v19 =	vld.idx.msk [tilespmem:v19+s17+$0x0], $0xffff;
	v14 =	vadd.f32 v21, v14  }
0x315: {  	p0 =	slt.u32 s10, $0x7E;
	v16 =	vand.u32 $0xFFFFFFFE, v16;
	v20 =	vld [tilespmem:s9+$0xFFFFFFC0];
	[tilespmem:s8+$0xFFFFFFD0] =	vst v13  }
0x316: {  	v13 =	vbroadcast v16, $0x0;
	v9 =	vadd.f32 v9, v12;
	v12 =	vor.u32 v2, v5;
	v11 =	vld.idx.msk [tilespmem:v11+s17+$0x0], $0xffff;
	[tilespmem:s7+$0xFFFFFFF0] =	vst v14  }
0x317: {  	v21 =	vld.idx.msk [tilespmem:v22+s17+$0x0], $0xffff  }
0x318: {  	v14 =	vadd.f32 v4, v18;
	v4 =	vmov v15;
	v22 =	vld [tilespmem:s8+$0xFFFFFFE0];
	[tilespmem:s8+$0x10] =	vst v9  }
0x319: {  	v23 =	vld [tilespmem:s9+$0x0]  }
.Ltmp8:
0x31a: {  	v16 =	vor.u32 v1, v17;
	v9 =	vld [tilespmem:s9+$0x10];
	[tilespmem:s7+$0x30] =	vst v14;
	s7 =	smov.u32 s8;
	s8 =	smov.u32 s9;
	(pc) =	sbr.rel @p0 .LBB2_18-.Ltmp8, $4  }
0x31b: {  	v14 =	vor.u32 v3, v8;
	v8 =	vmov v17;
	v12 =	vld.idx.msk [tilespmem:v12+s17+$0x0], $0xffff  }
0x31c: {  	v17 =	vld.idx.msk [tilespmem:v13+s16+$0x0], $0xffff;
	v13 =	vadd.f32 v20, v11  }
0x31d: {  	v15 =	vor.u32 v1, v6;
	v11 =	vld [tilespmem:s9+$0x20];
	v18 =	vadd.f32 v22, v21  }
0x31e: {  	[tilespmem:s9+$0xFFFFFFC0] =	vst v13;
	v13 =	vld [tilespmem:s9+$0xFFFFFFD0];
	v19 =	vadd.f32 v23, v19  }
0x31f: {  	_ = 	snop  }
0x320: {  	v10 =	vshll.u32 v10, $0x6  }
0x321: {  	v21 =	vor.u32 v0, v10;
	v17 =	vshll.u32 v17, $0x6  }
0x322: {  	v20 =	vor.u32 v0, v17  }
0x323: {  	s10 =	sadd.s32 $0x80, s9  }
0x324: {  	v22 =	vld [tilespmem:s10+$0xFFFFFFC0]  }
0x325: {  	v23 =	vld [tilespmem:s10+$0x0]  }
0x326: {  	v21 =	vld.idx.msk [tilespmem:v21+s17+$0x0], $0xffff  }
0x327: {  	v20 =	vld.idx.msk [tilespmem:v20+s17+$0x0], $0xffff  }
0x328: {  	v16 =	vld.idx.msk [tilespmem:v16+s17+$0x0], $0xffff  }
0x329: {  	v40 =	vld [tilespmem:s9+$0x30];
	v41 =	vor.u32 v1, v10  }
0x32a: {  	v50 =	vld [tilespmem:s8+$0xFFFFFFE0];
	v24 =	vor.u32 v1, v17  }
0x32b: {  	[tilespmem:s9+$0x0] =	vst v19;
	v42 =	vld [tilespmem:s10+$0xFFFFFFD0];
	v43 =	vadd.f32 v23, v21  }
0x32c: {  	v15 =	vld.idx.msk [tilespmem:v15+s17+$0x0], $0xffff;
	v20 =	vadd.f32 v22, v20  }
0x32d: {  	v46 =	vld [tilespmem:s10+$0x10];
	[tilespmem:s10+$0x0] =	vst v43  }
0x32e: {  	v47 =	vld.idx.msk [tilespmem:v41+s17+$0x0], $0xffff;
	[tilespmem:s10+$0xFFFFFFC0] =	vst v20  }
0x32f: {  	v45 =	vor.u32 v2, v6;
	v44 =	vld.idx.msk [tilespmem:v24+s17+$0x0], $0xffff  }
0x330: {  	v25 =	vor.u32 v2, v8;
	v51 =	vld [tilespmem:s7+$0xFFFFFFF0];
	v13 =	vadd.f32 v13, v16  }
0x331: {  	v60 =	vld [tilespmem:s8+$0xFFFFFFF0];
	v52 =	vor.u32 v2, v10;
	v9 =	vadd.f32 v9, v15  }
0x332: {  	v55 =	vld [tilespmem:s10+$0xFFFFFFE0];
	v48 =	vor.u32 v2, v17;
	[tilespmem:s8+$0xFFFFFFD0] =	vst v13  }
0x333: {  	v56 =	vld [tilespmem:s10+$0x20];
	[tilespmem:s8+$0x10] =	vst v9;
	v13 =	vadd.f32 v46, v47  }
0x334: {  	v16 =	vld.idx.msk [tilespmem:v45+s17+$0x0], $0xffff;
	v20 =	vadd.f32 v42, v44  }
0x335: {  	v5 =	vor.u32 v3, v5;
	v49 =	vld.idx.msk [tilespmem:v25+s17+$0x0], $0xffff;
	[tilespmem:s10+$0x10] =	vst v13  }
0x336: {  	v58 =	vld.idx.msk [tilespmem:v52+s17+$0x0], $0xffff;
	[tilespmem:s10+$0xFFFFFFD0] =	vst v20  }
0x337: {  	[tilespmem:s7+$0xFFFFFFE0] =	vst v18;
	v57 =	vor.u32 v3, v6;
	v7 =	vadd.f32 v7, v12;
	v54 =	vld.idx.msk [tilespmem:v48+s17+$0x0], $0xffff  }
0x338: {  	v53 =	vor.u32 v3, v8;
	v14 =	vld.idx.msk [tilespmem:v14+s17+$0x0], $0xffff  }
0x339: {  	v10 =	vor.u32 v3, v10;
	v61 =	vld [tilespmem:s10+$0x30];
	[tilespmem:s7+$0x20] =	vst v7;
	v11 =	vadd.f32 v11, v16  }
0x33a: {  	v59 =	vor.u32 v3, v17;
	v5 =	vld.idx.msk [tilespmem:v5+s17+$0x0], $0xffff;
	v15 =	vadd.f32 v50, v49  }
0x33b: {  	v62 =	vld [tilespmem:s10+$0xFFFFFFF0];
	[tilespmem:s8+$0x20] =	vst v11;
	v7 =	vadd.f32 v56, v58  }
0x33c: {  	[tilespmem:s8+$0xFFFFFFE0] =	vst v15;
	v6 =	vld.idx.msk [tilespmem:v57+s17+$0x0], $0xffff;
	v12 =	vadd.f32 v55, v54  }
0x33d: {  	v8 =	vld.idx.msk [tilespmem:v53+s17+$0x0], $0xffff;
	[tilespmem:s10+$0x20] =	vst v7  }
0x33e: {  	v10 =	vld.idx.msk [tilespmem:v10+s17+$0x0], $0xffff;
	[tilespmem:s10+$0xFFFFFFE0] =	vst v12  }
0x33f: {  	v4 =	vadd.f32 v4, v5;
	v9 =	vld.idx.msk [tilespmem:v59+s17+$0x0], $0xffff  }
0x340: {  	v63 =	vadd.f32 v51, v14  }
0x341: {  	[tilespmem:s7+$0x30] =	vst v4;
	v4 =	vadd.f32 v40, v6  }
0x342: {  	[tilespmem:s7+$0xFFFFFFF0] =	vst v63;
	v5 =	vadd.f32 v60, v8  }
0x343: {  	[tilespmem:s8+$0x30] =	vst v4;
	v4 =	vadd.f32 v61, v10  }
0x344: {  	[tilespmem:s8+$0xFFFFFFF0] =	vst v5;
	v5 =	vadd.f32 v62, v9  }
0x345: {  	[tilespmem:s10+$0x30] =	vst v4  }
0x346: {  	[tilespmem:s10+$0xFFFFFFF0] =	vst v5  }
0x347: {  	s7 =	rddreg [dreg:$0x9]  }
0x348: {  	[hbm4b:s7+s3] =	stream.linear.scatter [tilespmem:s25], [sflag:$0x8], $0x2000, $0x38;
	[tilespmem:$0x17A00] =	vst v63  }
0x349: {  	_ =	swait.ge [sflag:s1], $0x2000  }
0x34a: {  	[sflag:s1] =	ssyncset.done $0x0  }
0x34b: {  	[sflag:s1] =	ssyncadd.s32 $0xFFFFE000  }
0x34c: {  	_ =	swait.ge [sflag:s0], $0x2000  }
0x34d: {  	s21 =	rddreg [dreg:$0xb]  }
0x34e: {  	s24 =	rddreg [dreg:$0xa];
	s8 =	sadd.s32 $0x1, s21  }
0x34f: {  	p0 =	sne.s32 s8, s24  }
.Ltmp9:
0x350: {  	_ = 	snop;
	(pc) =	sbr.rel @p0 .LBB2_1-.Ltmp9, $3  }
0x351: {  	_ =	sdelay $0x1  }
0x352: {  	[sflag:s0] =	ssyncset.done $0x0  }
0x353: {  	[sflag:s0] =	ssyncadd.s32 $0xFFFFE000  }
0x354: {  	_ =	sfence.sel $0x180000  }
0x355: {  	[bflag:$0x0] =	sbarrier.arrive $0xFFFF  }
0x356: {  	_ =	strace $0x90000047  }
0x357: {  	s0 =	stileid.u32;
	[bflag:$0x2] =	sbarrier.arrive $0xFFFF  }
0x358: {  	p0 =	sne.s32 s0, $0x0;
	s0 =	rddreg [dreg:$0x2]  }
0x359: {  	s0 =	sadd.s32 @!p0 $0x100000, s0  }
0x35a: {  	[sflag:s0] =	ssyncadd.tile.s32 @!p0 $0x1;
	_ =	shalt  }
.Lfunc_end2:
_tile_overlayer_lowered:
.L_overlay_start_2:
0x35b: {  	(tag) =	ssettag $0x2  }
0x35c: {  	s0 =	rddreg [dreg:$0x0];
	s2 =	stileid.u32  }
0x35d: {  	s1 =	rddreg [dreg:$0x1];
	p0 =	sne.s32 s2, $0x0  }
0x35e: {  	s3 =	rddreg [dreg:$0x2];
	[bflag:$0x3] =	sbarrier.arrive $0xFFFF;
	s2 =	simm.s32 @!p0 $0x1C09  }
0x35f: {  	[timem:s3], [sflag:s2] =	dma.local @!p0 [hbm:s0], s1  }
0x360: {  	s0 =	simm.s32 @!p0 $0x9  }
0x361: {  	_ =	swait.ge @!p0 [sflag:s0], s1  }
0x362: {  	s1 =	ssub.s32 @!p0 $0x0, s1;
	[sflag:s0] =	ssyncset.done @!p0 $0x0  }
0x363: {  	[sflag:s0] =	ssyncadd.s32 @!p0 s1  }
0x364: {  	[bflag:$0x3] =	sbarrier.arrive $0xFFFF  }
0x365: {  	_ =	shalt  }

// kernel: sparse-core-data-format-call.cloned.1.call-start
scs
called_computation_lowered:
.L_overlay_start_0:
0x0: {  	s2 =	sld [smem:$0x3FD9]  }
0x1: {  	s3 =	sld [smem:$0x3FFE];
	_ =	sdelay $0x1  }
0x2: {  	s1 =	srdreg.scid  }
0x3: {  	s0 =	sand.u32 $0x1, s1  }
0x4: {  	s18 =	sshll.u32 s0, $0xA;
	s2 =	sadd.s32 s3, s2  }
0x5: {  	s2 =	sadd.s32 s2, s18  }
0x6: {  	[smem:$0x3FC4] =	sst s2  }
0x7: {  	_ = 	snop  }
0x8: {  	s2 =	sld [smem:$0x3FD0];
	(tm) =	ssettm $0x1  }
0x9: {  	s19 =	sld [smem:$0x3FFB];
	_ =	sdelay $0x3  }
0xa: {  	_ =	strace s19  }
0xb: {  	s3 =	sld [smem:$0x3FFC];
	_ =	sdelay $0x3  }
0xc: {  	_ =	strace s3  }
0xd: {  	s3 =	sld [smem:$0x3FFD];
	_ =	sdelay $0x3  }
0xe: {  	_ =	strace s3  }
0xf: {  	_ =	strace $0x8FFFFFFF  }
0x10: {  	s20 =	sld [smem:$0x3FDB];
	_ =	sdelay $0x1  }
0x11: {  	s4 =	simm.s32 $_scs_section_size  }
0x12: {  	s5 =	simm.s32 $_size__tile_overlayer_lowered;
	s6 =	simm.s32 $_tile_overlayer_lowered  }
0x13: {  	s23 =	simm.s32 $0x1BFF;
	s22 =	sshll.u32 s6, $0x1;
	s3 =	sadd.s32 s4, s20  }
0x14: {  	s7 =	simm.s32 $0x0;
	s21 =	sshll.u32 s5, $0x1;
	s5 =	sadd.s32 s22, s3  }
0x15: {  	[timem:s7], [sflag:s23] =	dma.local [hbm:s5], s21  }
0x16: {  	_ =	swait.ge [sflag:s23], s21  }
0x17: {  	s4 =	ssub.s32 $0x0, s21;
	[sflag:s23] =	ssyncset.done $0x0  }
0x18: {  	[sflag:s23] =	ssyncadd.s32 s4;
	_ =	sdelay $0x1  }
0x19: {  	s24 =	simm.s32 $0x1B8B  }
0x1a: {  	_ =	swait.ge [sflag:s24], $0x1  }
0x1b: {  	[sflag:s24] =	ssyncset.done $0x0  }
0x1c: {  	s26 =	simm.s32 $0x1B8E;
	s25 =	sld [smem:$0x3FFE];
	[sflag:s24] =	ssyncadd.s32 $0xFFFFFFFF  }
0x1d: {  	s27 =	simm.s32 $execute0_lowered;
	[smem:$0x3FD2] =	sst s26  }
0x1e: {  	s5 =	sshll.u32 s27, $0x1;
	_ =	strace $0x80000049;
	[dreg:$0x1] =	wrdreg $0xFFFFFFFF  }
0x1f: {  	s28 =	simm.s32 $_size_execute0_lowered;
	s3 =	sadd.s32 s3, s5;
	[dreg:$0x0] =	wrdreg $0x0  }
0x20: {  	s5 =	sshll.u32 s28, $0x1;
	[dreg:$0x2] =	wrdreg s3  }
0x21: {  	[dreg:$0x3] =	wrdreg s5  }
0x22: {  	[dreg:$0x4] =	wrdreg $0xC0  }
0x23: {  	_ =	task [dreg:s7], $0x5FFFF  }
0x24: {  	[dreg:$0x1] =	wrdreg $0xFFFFFFFF  }
0x25: {  	[dreg:$0x0] =	wrdreg $0x60  }
0x26: {  	[dreg:$0x2] =	wrdreg s25  }
0x27: {  	[dreg:$0x3] =	wrdreg s2  }
0x28: {  	[dreg:$0x4] =	wrdreg $0x9  }
0x29: {  	_ =	task.clear_ibuf [dreg:s7], $0x5FFFF;
	_ =	strace $0x90000049  }
0x2a: {  	s29 =	simm.s32 $0x9;
	_ =	strace $0x8000004B  }
0x2b: {  	_ =	swait.ge [sflag:s29], $0x1  }
0x2c: {  	[sflag:s29] =	ssyncadd.s32 $0xFFFFFFFF  }
0x2d: {  	_ =	strace $0x9000004B  }
0x2e: {  	_ =	sfence  }
0x2f: {  	s30 =	sld [smem:$0x0];
	_ =	sdelay $0x2  }
0x30: {  	s31 =	sshll.u32 s1, $0xD;
	s1 =	sshrl.u32 s1, $0x2  }
0x31: {  	s3 =	sand.u32 $0x4000, s31;
	s1 =	sadd.s32 s1, s30  }
0x32: {  	s0 =	sor.u32 s3, s0;
	s1 =	sshll.u32 s1, $0x11  }
0x33: {  	s0 =	sor.u32 s1, s0  }
0x34: {  	s0 =	sadd.s32 $0x8F2B, s0  }
0x35: {  	[sflag:s0] =	ssyncadd.remote.s32 $0x1  }
0x36: {  	_ =	sfence.sel $0xFFFF  }
0x37: {  	[dreg:$0x0] =	wrdreg $0xFFFFFFFF;
	(pc) =	sbr.abs _section_cstart, $3  }
0x38: {  	[dreg:$0x1] =	wrdreg $0xFFFFFFFF  }
0x39: {  	_ =	task.clear_ibuf [dreg:s7], $0x2FFFF;
	_ =	strace $0x9FFFFFFF  }
0x3a: {  	(tm) =	ssettm $0x7FFFFFFF  }
0x3b: {  	_ =	shalt  }
tec
execute0_lowered:
.L_overlay_start_1:
0x0: {  	(tag) =	ssettag $0x1  }
0x1: {  	s0 =	srdreg.scid  }
0x2: {  	s1 =	sshll.u32 s0, $0x4  }
0x3: {  	s0 =	stileid.u32;
	s1 =	sand.u32 $0x10, s1  }
0x4: {  	s1 =	sor.u32 s0, s1  }
0x5: {  	s6 =	rddreg [dreg:$0x0];
	s4 =	simm.s32 $0x1;
	s2 =	sshll.u32 s1, $0x7  }
0x6: {  	s7 =	simm.s32 $0x2;
	s12 =	simm.s32 $0x0;
	s1 =	ssub.s32 $0x1000, s2  }
0x7: {  	s8 =	simm.s32 $0x8000;
	s13 =	simm.s32 $0x0;
	s3 =	sand.u32 $0xF80, s1  }
0x8: {  	s9 =	simm.s32 $0x0;
	s5 =	sshrl.u32 s1, $0xC;
	p0 =	sne.s32 s3, $0x0  }
.Ltmp0:
0x9: {  	s1 =	rddreg [dreg:$0x2];
	s4 =	simm.s32 @!p0 $0x0;
	(pc) =	sbr.rel .LBB1_1-.Ltmp0, $4  }
0xa: {  	s11 =	simm.s32 $0x0;
	s3 =	rddreg [dreg:$0x1];
	s5 =	sadd.s32 s4, s5  }
0xb: {  	_ =	strace $0x8000004A;
	s4 =	simm.s32 $0x1;
	s5 =	smul.u32 $0xC8, s5  }
0xc: {  	s6 =	sadd.s32 $0xE00, s6;
	s10 =	smov.u32 s2;
	[sflag:s4] =	ssyncpa.u1 $0x0  }
0xd: {  	p0 =	por $0x0, $0x0;
	[sflag:s7] =	ssyncpa.u1 $0x0;
	s7 =	sor.u32 $0x1, s5  }
.LBB1_4:
0xe: {  	s16 =	sshll.u32 s13, $0x3;
	s17 =	sand.u32 $0x78, s13  }
0xf: {  	s30 =	sand.u32 $0x7E00, s13;
	s12 =	sshll.u32 s12, $0xF;
	s16 =	sand.u32 $0xC00, s16  }
0x10: {  	[tilespmem:s15+$0x810 ss:$0x81] =	vst.msk $0xffff, v2;
	s31 =	sand.u32 $0x7, s13;
	s16 =	sor.u32 s17, s16;
	s17 =	sadd.s32 s3, s30  }
0x11: {  	[tilespmem:s15+$0x1020 ss:$0x81] =	vst.msk $0xffff, v0;
	s13 =	sshll.u32 s31, $0x12;
	s12 =	sadd.s32 s12, s17;
	s16 =	sshrl.u32 s16, $0x3  }
0x12: {  	[tilespmem:s15+$0x0 ss:$0x81] =	vst.msk $0xffff, v1;
	s13 =	sor.u32 $0x400, s13;
	s12 =	sadd.s32 s16, s12  }
0x13: {  	[hbm4b:s12+s13] =	stream.strided.scatter [tilespmem:s14], [sflag:$0x2], $0x2000, s8, s13, $0x20;
	[tilespmem:$0x8080] =	vst v63  }
.LBB1_5:
0x14: {  	s14 =	sadd.s32 $0x1, s9  }
0x15: {  	s12 =	sadd.s32 $0x1000, s10;
	s16 =	smov.u32 s10;
	p2 =	sgt.s32 s14, $0xC7  }
0x16: {  	s16 =	smov.u32 @p2 s12  }
0x17: {  	s14 =	simm.s32 @p2 $0x0;
	p2 =	sgt.s32 s16, $0xFFF  }
0x18: {  	s16 =	smov.u32 @p2 s2;
	p2 =	sne.s32 s11, s7  }
.Ltmp1:
0x19: {  	p1 =	slt.u32 s11, $0x2;
	(pc) =	sbr.rel @!p2 .LBB1_6-.Ltmp1, $4  }
0x1a: {  	s15 =	simm.s32 @!p1 $0x2  }
0x1b: {  	s13 =	smov.u32 s10;
	p0 =	por !p0, !p0;
	_ =	swait.ge @!p1 [sflag:s15], $0x2000  }
0x1c: {  	s12 =	smov.u32 s9;
	[sflag:s15] =	ssyncset.done @!p1 $0x0;
	s9 =	smov.u32 s14  }
0x1d: {  	s11 =	sadd.s32 $0x1, s11;
	[sflag:s15] =	ssyncadd.s32 @!p1 $0xFFFFE000;
	s10 =	smov.u32 s16  }
.LBB1_1:
0x1e: {  	p1 =	sge.u32 s11, s5  }
0x1f: {  	s14 =	sand.u32 @!p1 $0x1FFFFFF, s9  }
0x20: {  	s15 =	smulhi.u32 @!p1 $0x147AE15, s14;
	_ =	sdelay $0x1  }
0x21: {  	s15 =	smul.u32 @!p1 $0xC8, s15  }
0x22: {  	s16 =	sxor.u32 @!p1 $0xFFFFFFFF, s11;
	s17 =	smul.u32 @!p1 $0xC80, s10  }
0x23: {  	s31 =	sadd.s32 $0xFFFFFFFF, s11;
	s16 =	sshll.u32 @!p1 s16, $0xD;
	s14 =	ssub.s32 @!p1 s14, s15  }
0x24: {  	s15 =	sand.u32 @!p1 $0x2000, s16;
	s16 =	sadd.s32 @!p1 s6, s17;
	s14 =	sshll.u32 @!p1 s14, $0x4  }
0x25: {  	s17 =	simm.s32 @!p1 $0x6400;
	s14 =	sadd.s32 @!p1 s14, s16;
	s16 =	simm.s32 @!p1 $0x40  }
0x26: {  	[tilespmem:s15], [sflag:$0x1] =	stream.strided.gather @!p1 [hbm4b:s14+s16], $0x2000, s17, s16, $0x38;
	[tilespmem:$0x8080] =	vst v63  }
0x27: {  	p1 =	sge.u32 s31, s5  }
.Ltmp2:
0x28: {  	_ = 	snop;
	(pc) =	sbr.rel @p1 .LBB1_5-.Ltmp2, $1  }
0x29: {  	_ =	sdelay $0x3  }
0x2a: {  	s14 =	simm.s32 $0x1  }
0x2b: {  	_ =	swait.ge [sflag:s4], $0x2000;
	s14 =	simm.s32 @!p0 $0x0  }
0x2c: {  	[sflag:s4] =	ssyncset.done $0x0;
	s15 =	sshll.u32 s14, $0xD  }
0x2d: {  	[sflag:s4] =	ssyncadd.s32 $0xFFFFE000;
	s18 =	sor.u32 $0x20, s15  }
0x2e: {  	s14 =	smul.u32 $0x8100, s14;
	v3 =	vld [tilespmem:s18+$0x10]  }
0x2f: {  	s30 =	sand.u32 $0x1, s11;
	v2 =	vld [tilespmem:s18+$0xFFFFFFF0]  }
0x30: {  	s15 =	smul.u32 $0x8100, s30;
	s14 =	sshrl.u32 s14, $0x2;
	v0 =	vld [tilespmem:s18+$0x0]  }
0x31: {  	v1 =	vld [tilespmem:s18+$0xFFFFFFE0];
	s16 =	sor.u32 $0x4000, s14  }
0x32: {  	s31 =	sshrl.u32 s15, $0x2;
	s15 =	sadd.s32 $0x0, s16  }
0x33: {  	s17 =	simm.s32 $0x4;
	s18 =	sadd.s32 $0x40, s18;
	s14 =	sor.u32 $0x4000, s31;
	[tilespmem:s15+$0x1830 ss:$0x81] =	vst.msk $0xffff, v3  }
.LBB1_3:
0x34: {  	v3 =	vld [tilespmem:s18+$0x10];
	p1 =	sne.s32 s17, $0x1FC;
	[tilespmem:s15+$0x810 ss:$0x81] =	vst.msk $0xffff, v2;
	s19 =	smov.u32 s17;
	s17 =	sadd.s32 $0x4, s17  }
.Ltmp3:
0x35: {  	v2 =	vld [tilespmem:s18+$0xFFFFFFF0];
	[tilespmem:s15+$0x1020 ss:$0x81] =	vst.msk $0xffff, v0;
	(pc) =	sbr.rel @p1 .LBB1_3-.Ltmp3, $4  }
0x36: {  	v0 =	vld [tilespmem:s18+$0x0];
	[tilespmem:s15+$0x0 ss:$0x81] =	vst.msk $0xffff, v1  }
0x37: {  	s15 =	sshra.s32 s19, $0x2;
	v1 =	vld [tilespmem:s18+$0xFFFFFFE0]  }
0x38: {  	s15 =	sadd.s32 s15, s16  }
0x39: {  	s18 =	sadd.s32 $0x40, s18;
	[tilespmem:s15+$0x1830 ss:$0x81] =	vst.msk $0xffff, v3  }
.Ltmp4:
0x3a: {  	_ = 	snop;
	(pc) =	sbr.rel .LBB1_4-.Ltmp4, $1  }
0x3b: {  	_ =	sdelay $0x3  }
.LBB1_6:
0x3c: {  	_ =	sfence.sel $0x180000  }
0x3d: {  	s2 =	simm.s32 $0x1;
	[bflag:$0x0] =	sbarrier.arrive $0xFFFF  }
0x3e: {  	s31 =	simm.s32 $0x2;
	[sflag:s2] =	ssyncpa.u1 $0x1  }
0x3f: {  	[sflag:s31] =	ssyncpa.u1 $0x1  }
0x40: {  	p0 =	sne.s32 s0, $0x0;
	_ =	strace $0x9000004A  }
0x41: {  	s0 =	sadd.s32 @!p0 $0x100000, s1;
	[bflag:$0x2] =	sbarrier.arrive $0xFFFF  }
0x42: {  	[sflag:s0] =	ssyncadd.tile.s32 @!p0 $0x1;
	_ =	shalt  }
.Lfunc_end1:
_tile_overlayer_lowered:
.L_overlay_start_2:
0x43: {  	(tag) =	ssettag $0x2  }
0x44: {  	s0 =	rddreg [dreg:$0x0];
	s2 =	stileid.u32  }
0x45: {  	s1 =	rddreg [dreg:$0x1];
	p0 =	sne.s32 s2, $0x0  }
0x46: {  	s3 =	rddreg [dreg:$0x2];
	[bflag:$0x3] =	sbarrier.arrive $0xFFFF;
	s2 =	simm.s32 @!p0 $0x1C01  }
0x47: {  	[timem:s3], [sflag:s2] =	dma.local @!p0 [hbm:s0], s1  }
0x48: {  	s0 =	simm.s32 @!p0 $0x1  }
0x49: {  	_ =	swait.ge @!p0 [sflag:s0], s1  }
0x4a: {  	s1 =	ssub.s32 @!p0 $0x0, s1;
	[sflag:s0] =	ssyncset.done @!p0 $0x0  }
0x4b: {  	[sflag:s0] =	ssyncadd.s32 @!p0 s1  }
0x4c: {  	[bflag:$0x3] =	sbarrier.arrive $0xFFFF  }
0x4d: {  	_ =	shalt  }

</sc_bundles>
